<compile_context>
chip_gen: v7x
topology: tpu7x:2x2x1
jax: 0.10.2.dev20260603
libtpu: 0.0.44.dev20260713+nightly
codegen_flags: <defaults>
</compile_context>

<pallas_src>
import functools

import jax
import jax.numpy as jnp
from jax import lax
from jax.experimental import pallas as pl
from jax.experimental.pallas import tpu as pltpu
from jax.experimental.pallas import tpu_sc as plsc

NC = 2
NS = 16
NW = NC * NS
L = 16

N = 4096 * 8192
PW = N // NW
CHUNK = 16384
NCH = PW // CHUNK
NV = CHUNK // L
UNROLL = 4

_mesh = plsc.VectorSubcoreMesh(core_axis_name="c", subcore_axis_name="s")


@functools.partial(
    pl.kernel,
    out_type=jax.ShapeDtypeStruct((NW, L), jnp.float32),
    mesh=_mesh,
    scratch_types=[
        pltpu.VMEM((48,), jnp.float32),
        pltpu.VMEM((CHUNK,), jnp.float32),
        pltpu.VMEM((CHUNK,), jnp.float32),
        pltpu.VMEM((CHUNK,), jnp.float32),
        pltpu.VMEM((CHUNK,), jnp.float32),
        pltpu.VMEM((L,), jnp.float32),
        pltpu.SemaphoreType.DMA,
        pltpu.SemaphoreType.DMA,
    ],
    compiler_params=pltpu.CompilerParams(needs_layout_passes=False),
)
def _sc_partial(yp_hbm, yt_hbm, tab_hbm, out_hbm,
                tab_v, ypA, ytA, ypB, ytB, accv, semA, semB):
    wid = lax.axis_index("s") * NC + lax.axis_index("c")
    base = wid * PW

    pltpu.sync_copy(tab_hbm, tab_v)
    invv = tab_v[pl.ds(32, L)]

    def start(buf_yp, buf_yt, sem, g):
        off = pl.multiple_of(base + g * CHUNK, CHUNK)
        pltpu.make_async_copy(yp_hbm.at[pl.ds(off, CHUNK)], buf_yp, sem).start()
        pltpu.make_async_copy(yt_hbm.at[pl.ds(off, CHUNK)], buf_yt, sem).start()

    def wait(buf_yp, buf_yt, sem):
        pltpu.make_async_copy(yp_hbm.at[pl.ds(0, CHUNK)], buf_yp, sem).wait()
        pltpu.make_async_copy(yt_hbm.at[pl.ds(0, CHUNK)], buf_yt, sem).wait()

    def compute(buf_yp, buf_yt, acc):
        def ibody(i, a):
            i0 = pl.multiple_of(i * (UNROLL * L), UNROLL * L)
            for u in range(UNROLL):
                off = i0 + u * L
                yv = buf_yt[pl.ds(off, L)]
                pv = buf_yp[pl.ds(off, L)]
                q = yv * invv
                c0 = q.astype(jnp.int32)
                e = c0.astype(jnp.float32)
                cnt = jnp.where(e < q, c0 + 1, c0)
                cnt = jnp.minimum(jnp.maximum(cnt, 0), 21)
                wv = plsc.load_gather(tab_v, [cnt])
                d = pv - yv
                a = a + wv * (d * d)
            return a
        return lax.fori_loop(0, NV // UNROLL, ibody, acc)

    start(ypA, ytA, semA, 0)

    def gbody(g2, acc):
        start(ypB, ytB, semB, 2 * g2 + 1)
        wait(ypA, ytA, semA)
        acc = compute(ypA, ytA, acc)

        @pl.when(g2 < NCH // 2 - 1)
        def _():
            start(ypA, ytA, semA, 2 * g2 + 2)

        wait(ypB, ytB, semB)
        acc = compute(ypB, ytB, acc)
        return acc

    acc = lax.fori_loop(0, NCH // 2, gbody, jnp.zeros((L,), jnp.float32))
    accv[...] = acc
    pltpu.sync_copy(accv, out_hbm.at[wid])


def kernel(y_pred, y_true, weights, bin_edges):
    yp = y_pred.reshape(-1)
    yt = y_true.reshape(-1)
    step = bin_edges[1] - bin_edges[0]
    inv_step = 1.0 / step
    tab = jnp.concatenate([
        weights[-1:], weights, weights[-1:],
        jnp.zeros((10,), jnp.float32),
        jnp.full((L,), inv_step, jnp.float32),
    ])
    partials = _sc_partial(yp, yt, tab)
    return jnp.sum(partials) / N

# --- scband reference (transcript-rebuilt; emitter-appended) ---
"""Pipeline reference for scband-weighted-loss-65446711657253 (READ-ONLY COPY).

The authoritative reference and input builder live on the scoring server;
editing this copy changes nothing except your own understanding.
"""

import jax, jax.numpy as jnp
import numpy as np

ALL_INTENSITIES = np.concatenate([np.arange(100, dtype=np.float64), np.arange(20, dtype=np.float64)])
WEIGHT_CAPPING_INTENSITY = 60.0


def _make_weights():
    # mirrors torch.histogram(..., range=(0, 100), bins=20, density=True)
    probs, bin_edges = np.histogram(ALL_INTENSITIES, bins=20, range=(0.0, 100.0), density=True)
    weights = np.where(probs != 0, 1.0 / np.where(probs != 0, probs, 1.0), 0.0)
    # torch.bucketize(cap, bin_edges) with right=False == np.searchsorted(bin_edges, cap, side='left')
    cap_idx = int(np.searchsorted(bin_edges, WEIGHT_CAPPING_INTENSITY, side='left')) - 1
    max_weight = weights[cap_idx]
    weights = np.where(weights > max_weight, max_weight, weights)
    weights = weights / weights.sum()
    return jnp.asarray(weights, dtype=jnp.float32), jnp.asarray(bin_edges, dtype=jnp.float32)


def setup_inputs(seed: int = 0) -> dict:
    key = jax.random.key(seed)
    k1, k2 = jax.random.split(key)
    y_pred = jax.random.normal(k1, (4096, 8192), dtype=jnp.float32)
    y_true = jax.random.uniform(k2, (4096, 8192), dtype=jnp.float32)
    weights, bin_edges = _make_weights()
    return {"y_pred": y_pred, "y_true": y_true, "weights": weights, "bin_edges": bin_edges}


def reference(y_pred, y_true, weights, bin_edges):
    # torch.bucketize(y_true, bin_edges) - 1  ->  searchsorted(side='left') - 1
    idx = jnp.searchsorted(bin_edges, y_true, side='left') - 1
    w = weights[idx]
    # base_loss = MSELoss(reduction='none')
    loss = jnp.mean(w * (y_pred - y_true) ** 2)
    return loss

if __name__ == "__main__":
    import jax
    _d = setup_inputs()
    print(jax.jit(kernel)(*tuple(_d.values())))

</pallas_src>

<mosaic_0001>
#map = affine_map<(d0, d1) -> (0)>
#map1 = affine_map<(d0, d1) -> (0, 0)>
module attributes {stable_mosaic.version = 14 : i64} {
  func.func @_sc_partial(%arg0: i32, %arg1: i32, %arg2: memref<33554432xf32, #tpu.memory_space<hbm>>, %arg3: memref<33554432xf32, #tpu.memory_space<hbm>>, %arg4: memref<48xf32, #tpu.memory_space<hbm>>, %arg5: memref<32x16xf32, #tpu.memory_space<hbm>>, %arg6: memref<48xf32, #tpu.memory_space<vmem>>, %arg7: memref<16384xf32, #tpu.memory_space<vmem>>, %arg8: memref<16384xf32, #tpu.memory_space<vmem>>, %arg9: memref<16384xf32, #tpu.memory_space<vmem>>, %arg10: memref<16384xf32, #tpu.memory_space<vmem>>, %arg11: memref<16xf32, #tpu.memory_space<vmem>>, %arg12: memref<!tpu.dma_semaphore, #tpu.memory_space<semaphore_mem>>, %arg13: memref<!tpu.dma_semaphore, #tpu.memory_space<semaphore_mem>>) attributes {dimension_semantics = [#tpu.dimension_semantics<core_parallel>, #tpu.dimension_semantics<subcore_parallel>], iteration_bounds = array<i64: 2, 16>, scalar_prefetch = 0 : i64, scratch_operands = 8 : i64, tpu.core_type = #tpu.core_type<sc_vector_subcore>, window_params = [{transform_indices = #map}, {transform_indices = #map}, {transform_indices = #map}, {transform_indices = #map1}]} {
    %mul3A = arith.constant 2 : i32
    %mul3A_0 = arith.muli %arg1, %mul3A : i32
    %add3A = arith.addi %mul3A_0, %arg0 : i32
    %mul3A_1 = arith.constant 1048576 : i32
    %mul3A_2 = arith.muli %add3A, %mul3A_1 : i32
    "tpu.region"() ({
      %run_scoped3A = tpu.sem_alloc : memref<!tpu.dma_semaphore, #tpu.memory_space<semaphore_mem>>
      tpu.enqueue_dma source(%arg4 : memref<48xf32, #tpu.memory_space<hbm>>) target(%arg6 : memref<48xf32, #tpu.memory_space<vmem>>) target_semaphore(%run_scoped3A : memref<!tpu.dma_semaphore, #tpu.memory_space<semaphore_mem>>)
      tpu.wait_dma2 semaphore(%run_scoped3A : memref<!tpu.dma_semaphore, #tpu.memory_space<semaphore_mem>>) src(%arg4 : memref<48xf32, #tpu.memory_space<hbm>>) dst(%arg6 : memref<48xf32, #tpu.memory_space<vmem>>)
      tpu.yield
    }) : () -> ()
    %get3A = arith.constant 32 : index
    %get3A_3 = tpu.vector_load %arg6[%get3A] {strides = array<i32>} : memref<48xf32, #tpu.memory_space<vmem>>, vector<16xf32>,
    %add3A_4 = arith.constant 0 : i32
    %add3A_5 = arith.addi %mul3A_2, %add3A_4 : i32
    %multiple_of3A = tpu.assume_multiple %add3A_5, 16384 : i32
    %dma_start3A = tpu.memref_slice %arg2[%multiple_of3A] : memref<33554432xf32, #tpu.memory_space<hbm>> -> memref<16384xf32, #tpu.memory_space<hbm>>
    %dma_start3A_6 = tpu.memref_slice %arg2[%multiple_of3A] : memref<33554432xf32, #tpu.memory_space<hbm>> -> memref<16384xf32, #tpu.memory_space<hbm>>
    tpu.enqueue_dma source(%dma_start3A_6 : memref<16384xf32, #tpu.memory_space<hbm>>) target(%arg7 : memref<16384xf32, #tpu.memory_space<vmem>>) target_semaphore(%arg12 : memref<!tpu.dma_semaphore, #tpu.memory_space<semaphore_mem>>)
    %dma_start3A_7 = tpu.memref_slice %arg3[%multiple_of3A] : memref<33554432xf32, #tpu.memory_space<hbm>> -> memref<16384xf32, #tpu.memory_space<hbm>>
    %dma_start3A_8 = tpu.memref_slice %arg3[%multiple_of3A] : memref<33554432xf32, #tpu.memory_space<hbm>> -> memref<16384xf32, #tpu.memory_space<hbm>>
    tpu.enqueue_dma source(%dma_start3A_8 : memref<16384xf32, #tpu.memory_space<hbm>>) target(%arg8 : memref<16384xf32, #tpu.memory_space<vmem>>) target_semaphore(%arg12 : memref<!tpu.dma_semaphore, #tpu.memory_space<semaphore_mem>>)
    %broadcast_in_dim3A = arith.constant 0.000000e+00 : f32
    %broadcast_in_dim3A_9 = vector.broadcast %broadcast_in_dim3A : f32 to vector<16xf32>
    %scan3A = arith.constant 0 : i32
    %scan3A_10 = arith.constant 32 : i32
    %scan3A_11 = arith.addi %scan3A, %scan3A_10 : i32
    %scan3A_12 = arith.constant 1 : i32
    %scan3A_13 = scf.for %scan3A_16 = %scan3A to %scan3A_11 step %scan3A_12 iter_args(%scan3A_17 = %broadcast_in_dim3A_9) -> (vector<16xf32>)  : i32 {
      %mul3A_18 = arith.constant 2 : i32
      %mul3A_19 = arith.muli %mul3A_18, %scan3A_16 : i32
      %add3A_20 = arith.constant 1 : i32
      %add3A_21 = arith.addi %mul3A_19, %add3A_20 : i32
      %mul3A_22 = arith.constant 16384 : i32
      %mul3A_23 = arith.muli %add3A_21, %mul3A_22 : i32
      %add3A_24 = arith.addi %mul3A_2, %mul3A_23 : i32
      %multiple_of3A_25 = tpu.assume_multiple %add3A_24, 16384 : i32
      %dma_start3A_26 = tpu.memref_slice %arg2[%multiple_of3A_25] : memref<33554432xf32, #tpu.memory_space<hbm>> -> memref<16384xf32, #tpu.memory_space<hbm>>
      %dma_start3A_27 = tpu.memref_slice %arg2[%multiple_of3A_25] : memref<33554432xf32, #tpu.memory_space<hbm>> -> memref<16384xf32, #tpu.memory_space<hbm>>
      tpu.enqueue_dma source(%dma_start3A_27 : memref<16384xf32, #tpu.memory_space<hbm>>) target(%arg9 : memref<16384xf32, #tpu.memory_space<vmem>>) target_semaphore(%arg13 : memref<!tpu.dma_semaphore, #tpu.memory_space<semaphore_mem>>)
      %dma_start3A_28 = tpu.memref_slice %arg3[%multiple_of3A_25] : memref<33554432xf32, #tpu.memory_space<hbm>> -> memref<16384xf32, #tpu.memory_space<hbm>>
      %dma_start3A_29 = tpu.memref_slice %arg3[%multiple_of3A_25] : memref<33554432xf32, #tpu.memory_space<hbm>> -> memref<16384xf32, #tpu.memory_space<hbm>>
      tpu.enqueue_dma source(%dma_start3A_29 : memref<16384xf32, #tpu.memory_space<hbm>>) target(%arg10 : memref<16384xf32, #tpu.memory_space<vmem>>) target_semaphore(%arg13 : memref<!tpu.dma_semaphore, #tpu.memory_space<semaphore_mem>>)
      %dma_wait3A = arith.constant 0 : i32
      %dma_wait3A_30 = tpu.memref_slice %arg2[%dma_wait3A] : memref<33554432xf32, #tpu.memory_space<hbm>> -> memref<16384xf32, #tpu.memory_space<hbm>>
      %dma_wait3A_31 = arith.constant 0 : i32
      %dma_wait3A_32 = tpu.memref_slice %arg2[%dma_wait3A_31] : memref<33554432xf32, #tpu.memory_space<hbm>> -> memref<16384xf32, #tpu.memory_space<hbm>>
      tpu.wait_dma2 semaphore(%arg12 : memref<!tpu.dma_semaphore, #tpu.memory_space<semaphore_mem>>) src(%dma_wait3A_32 : memref<16384xf32, #tpu.memory_space<hbm>>) dst(%arg7 : memref<16384xf32, #tpu.memory_space<vmem>>)
      %dma_wait3A_33 = arith.constant 0 : i32
      %dma_wait3A_34 = tpu.memref_slice %arg3[%dma_wait3A_33] : memref<33554432xf32, #tpu.memory_space<hbm>> -> memref<16384xf32, #tpu.memory_space<hbm>>
      %dma_wait3A_35 = arith.constant 0 : i32
      %dma_wait3A_36 = tpu.memref_slice %arg3[%dma_wait3A_35] : memref<33554432xf32, #tpu.memory_space<hbm>> -> memref<16384xf32, #tpu.memory_space<hbm>>
      tpu.wait_dma2 semaphore(%arg12 : memref<!tpu.dma_semaphore, #tpu.memory_space<semaphore_mem>>) src(%dma_wait3A_36 : memref<16384xf32, #tpu.memory_space<hbm>>) dst(%arg8 : memref<16384xf32, #tpu.memory_space<vmem>>)
      %scan3A_37 = arith.constant 0 : i32
      %scan3A_38 = arith.constant 256 : i32
      %scan3A_39 = arith.addi %scan3A_37, %scan3A_38 : i32
      %scan3A_40 = arith.constant 1 : i32
      %scan3A_41 = scf.for %scan3A_59 = %scan3A_37 to %scan3A_39 step %scan3A_40 iter_args(%scan3A_60 = %scan3A_17) -> (vector<16xf32>)  : i32 {
        %mul3A_61 = arith.constant 64 : i32
        %mul3A_62 = arith.muli %scan3A_59, %mul3A_61 : i32
        %multiple_of3A_63 = tpu.assume_multiple %mul3A_62, 64 : i32
        %add3A_64 = arith.constant 0 : i32
        %add3A_65 = arith.addi %multiple_of3A_63, %add3A_64 : i32
        %get3A_66 = arith.index_cast %add3A_65 : i32 to index
        %get3A_67 = tpu.vector_load %arg8[%get3A_66] {strides = array<i32>} : memref<16384xf32, #tpu.memory_space<vmem>>, vector<16xf32>,
        %get3A_68 = arith.index_cast %add3A_65 : i32 to index
        %get3A_69 = tpu.vector_load %arg7[%get3A_68] {strides = array<i32>} : memref<16384xf32, #tpu.memory_space<vmem>>, vector<16xf32>,
        %mul3A_70 = arith.mulf %get3A_67, %get3A_3 : vector<16xf32>
        %convert_element_type3A_71 = arith.fptosi %mul3A_70 : vector<16xf32> to vector<16xi32>
        %convert_element_type3A_72 = arith.sitofp %convert_element_type3A_71 : vector<16xi32> to vector<16xf32>
        %lt3A_73 = arith.cmpf olt, %convert_element_type3A_72, %mul3A_70 : vector<16xf32>
        %add3A_74 = arith.constant 1 : i32
        %add3A_75 = vector.broadcast %add3A_74 : i32 to vector<16xi32>
        %add3A_76 = arith.addi %convert_element_type3A_71, %add3A_75 : vector<16xi32>
        %select_n3A = arith.select %lt3A_73, %add3A_76, %convert_element_type3A_71 : vector<16xi1>, vector<16xi32>
        %max3A = arith.constant 0 : i32
        %max3A_77 = vector.broadcast %max3A : i32 to vector<16xi32>
        %max3A_78 = arith.maxsi %select_n3A, %max3A_77 : vector<16xi32>
        %min3A = arith.constant 21 : i32
        %min3A_79 = vector.broadcast %min3A : i32 to vector<16xi32>
        %min3A_80 = arith.minsi %max3A_78, %min3A_79 : vector<16xi32>
        %gather3A = tpu.vector_load_idx %arg6[%min3A_80] : memref<48xf32, #tpu.memory_space<vmem>>[vector<16xi32>], vector<16xf32>,
        %sub3A = arith.subf %get3A_69, %get3A_67 : vector<16xf32>
        %mul3A_81 = arith.mulf %sub3A, %sub3A : vector<16xf32>
        %mul3A_82 = arith.mulf %gather3A, %mul3A_81 : vector<16xf32>
        %add3A_83 = arith.addf %scan3A_60, %mul3A_82 : vector<16xf32>
        %add3A_84 = arith.constant 16 : i32
        %add3A_85 = arith.addi %multiple_of3A_63, %add3A_84 : i32
        %get3A_86 = arith.index_cast %add3A_85 : i32 to index
        %get3A_87 = tpu.vector_load %arg8[%get3A_86] {strides = array<i32>} : memref<16384xf32, #tpu.memory_space<vmem>>, vector<16xf32>,
        %get3A_88 = arith.index_cast %add3A_85 : i32 to index
        %get3A_89 = tpu.vector_load %arg7[%get3A_88] {strides = array<i32>} : memref<16384xf32, #tpu.memory_space<vmem>>, vector<16xf32>,
        %mul3A_90 = arith.mulf %get3A_87, %get3A_3 : vector<16xf32>
        %convert_element_type3A_91 = arith.fptosi %mul3A_90 : vector<16xf32> to vector<16xi32>
        %convert_element_type3A_92 = arith.sitofp %convert_element_type3A_91 : vector<16xi32> to vector<16xf32>
        %lt3A_93 = arith.cmpf olt, %convert_element_type3A_92, %mul3A_90 : vector<16xf32>
        %add3A_94 = arith.constant 1 : i32
        %add3A_95 = vector.broadcast %add3A_94 : i32 to vector<16xi32>
        %add3A_96 = arith.addi %convert_element_type3A_91, %add3A_95 : vector<16xi32>
        %select_n3A_97 = arith.select %lt3A_93, %add3A_96, %convert_element_type3A_91 : vector<16xi1>, vector<16xi32>
        %max3A_98 = arith.constant 0 : i32
        %max3A_99 = vector.broadcast %max3A_98 : i32 to vector<16xi32>
        %max3A_100 = arith.maxsi %select_n3A_97, %max3A_99 : vector<16xi32>
        %min3A_101 = arith.constant 21 : i32
        %min3A_102 = vector.broadcast %min3A_101 : i32 to vector<16xi32>
        %min3A_103 = arith.minsi %max3A_100, %min3A_102 : vector<16xi32>
        %gather3A_104 = tpu.vector_load_idx %arg6[%min3A_103] : memref<48xf32, #tpu.memory_space<vmem>>[vector<16xi32>], vector<16xf32>,
        %sub3A_105 = arith.subf %get3A_89, %get3A_87 : vector<16xf32>
        %mul3A_106 = arith.mulf %sub3A_105, %sub3A_105 : vector<16xf32>
        %mul3A_107 = arith.mulf %gather3A_104, %mul3A_106 : vector<16xf32>
        %add3A_108 = arith.addf %add3A_83, %mul3A_107 : vector<16xf32>
        %add3A_109 = arith.constant 32 : i32
        %add3A_110 = arith.addi %multiple_of3A_63, %add3A_109 : i32
        %get3A_111 = arith.index_cast %add3A_110 : i32 to index
        %get3A_112 = tpu.vector_load %arg8[%get3A_111] {strides = array<i32>} : memref<16384xf32, #tpu.memory_space<vmem>>, vector<16xf32>,
        %get3A_113 = arith.index_cast %add3A_110 : i32 to index
        %get3A_114 = tpu.vector_load %arg7[%get3A_113] {strides = array<i32>} : memref<16384xf32, #tpu.memory_space<vmem>>, vector<16xf32>,
        %mul3A_115 = arith.mulf %get3A_112, %get3A_3 : vector<16xf32>
        %convert_element_type3A_116 = arith.fptosi %mul3A_115 : vector<16xf32> to vector<16xi32>
        %convert_element_type3A_117 = arith.sitofp %convert_element_type3A_116 : vector<16xi32> to vector<16xf32>
        %lt3A_118 = arith.cmpf olt, %convert_element_type3A_117, %mul3A_115 : vector<16xf32>
        %add3A_119 = arith.constant 1 : i32
        %add3A_120 = vector.broadcast %add3A_119 : i32 to vector<16xi32>
        %add3A_121 = arith.addi %convert_element_type3A_116, %add3A_120 : vector<16xi32>
        %select_n3A_122 = arith.select %lt3A_118, %add3A_121, %convert_element_type3A_116 : vector<16xi1>, vector<16xi32>
        %max3A_123 = arith.constant 0 : i32
        %max3A_124 = vector.broadcast %max3A_123 : i32 to vector<16xi32>
        %max3A_125 = arith.maxsi %select_n3A_122, %max3A_124 : vector<16xi32>
        %min3A_126 = arith.constant 21 : i32
        %min3A_127 = vector.broadcast %min3A_126 : i32 to vector<16xi32>
        %min3A_128 = arith.minsi %max3A_125, %min3A_127 : vector<16xi32>
        %gather3A_129 = tpu.vector_load_idx %arg6[%min3A_128] : memref<48xf32, #tpu.memory_space<vmem>>[vector<16xi32>], vector<16xf32>,
        %sub3A_130 = arith.subf %get3A_114, %get3A_112 : vector<16xf32>
        %mul3A_131 = arith.mulf %sub3A_130, %sub3A_130 : vector<16xf32>
        %mul3A_132 = arith.mulf %gather3A_129, %mul3A_131 : vector<16xf32>
        %add3A_133 = arith.addf %add3A_108, %mul3A_132 : vector<16xf32>
        %add3A_134 = arith.constant 48 : i32
        %add3A_135 = arith.addi %multiple_of3A_63, %add3A_134 : i32
        %get3A_136 = arith.index_cast %add3A_135 : i32 to index
        %get3A_137 = tpu.vector_load %arg8[%get3A_136] {strides = array<i32>} : memref<16384xf32, #tpu.memory_space<vmem>>, vector<16xf32>,
        %get3A_138 = arith.index_cast %add3A_135 : i32 to index
        %get3A_139 = tpu.vector_load %arg7[%get3A_138] {strides = array<i32>} : memref<16384xf32, #tpu.memory_space<vmem>>, vector<16xf32>,
        %mul3A_140 = arith.mulf %get3A_137, %get3A_3 : vector<16xf32>
        %convert_element_type3A_141 = arith.fptosi %mul3A_140 : vector<16xf32> to vector<16xi32>
        %convert_element_type3A_142 = arith.sitofp %convert_element_type3A_141 : vector<16xi32> to vector<16xf32>
        %lt3A_143 = arith.cmpf olt, %convert_element_type3A_142, %mul3A_140 : vector<16xf32>
        %add3A_144 = arith.constant 1 : i32
        %add3A_145 = vector.broadcast %add3A_144 : i32 to vector<16xi32>
        %add3A_146 = arith.addi %convert_element_type3A_141, %add3A_145 : vector<16xi32>
        %select_n3A_147 = arith.select %lt3A_143, %add3A_146, %convert_element_type3A_141 : vector<16xi1>, vector<16xi32>
        %max3A_148 = arith.constant 0 : i32
        %max3A_149 = vector.broadcast %max3A_148 : i32 to vector<16xi32>
        %max3A_150 = arith.maxsi %select_n3A_147, %max3A_149 : vector<16xi32>
        %min3A_151 = arith.constant 21 : i32
        %min3A_152 = vector.broadcast %min3A_151 : i32 to vector<16xi32>
        %min3A_153 = arith.minsi %max3A_150, %min3A_152 : vector<16xi32>
        %gather3A_154 = tpu.vector_load_idx %arg6[%min3A_153] : memref<48xf32, #tpu.memory_space<vmem>>[vector<16xi32>], vector<16xf32>,
        %sub3A_155 = arith.subf %get3A_139, %get3A_137 : vector<16xf32>
        %mul3A_156 = arith.mulf %sub3A_155, %sub3A_155 : vector<16xf32>
        %mul3A_157 = arith.mulf %gather3A_154, %mul3A_156 : vector<16xf32>
        %add3A_158 = arith.addf %add3A_133, %mul3A_157 : vector<16xf32>
        scf.yield %add3A_158 : vector<16xf32>
      }
      %scan3A_42 = arith.constant 256 : i32
      %lt3A = arith.constant 31 : i32
      %lt3A_43 = arith.cmpi slt, %scan3A_16, %lt3A : i32
      %convert_element_type3A = arith.extui %lt3A_43 : i1 to i32
      %cond3A = arith.constant 0 : i32
      %cond3A_44 = arith.cmpi ne, %convert_element_type3A, %cond3A : i32
      scf.if %cond3A_44 {
        %mul3A_59 = arith.constant 2 : i32
        %mul3A_60 = arith.muli %mul3A_59, %scan3A_16 : i32
        %add3A_61 = arith.constant 2 : i32
        %add3A_62 = arith.addi %mul3A_60, %add3A_61 : i32
        %mul3A_63 = arith.constant 16384 : i32
        %mul3A_64 = arith.muli %add3A_62, %mul3A_63 : i32
        %add3A_65 = arith.addi %mul3A_2, %mul3A_64 : i32
        %multiple_of3A_66 = tpu.assume_multiple %add3A_65, 16384 : i32
        %dma_start3A_67 = tpu.memref_slice %arg2[%multiple_of3A_66] : memref<33554432xf32, #tpu.memory_space<hbm>> -> memref<16384xf32, #tpu.memory_space<hbm>>
        %dma_start3A_68 = tpu.memref_slice %arg2[%multiple_of3A_66] : memref<33554432xf32, #tpu.memory_space<hbm>> -> memref<16384xf32, #tpu.memory_space<hbm>>
        tpu.enqueue_dma source(%dma_start3A_68 : memref<16384xf32, #tpu.memory_space<hbm>>) target(%arg7 : memref<16384xf32, #tpu.memory_space<vmem>>) target_semaphore(%arg12 : memref<!tpu.dma_semaphore, #tpu.memory_space<semaphore_mem>>)
        %dma_start3A_69 = tpu.memref_slice %arg3[%multiple_of3A_66] : memref<33554432xf32, #tpu.memory_space<hbm>> -> memref<16384xf32, #tpu.memory_space<hbm>>
        %dma_start3A_70 = tpu.memref_slice %arg3[%multiple_of3A_66] : memref<33554432xf32, #tpu.memory_space<hbm>> -> memref<16384xf32, #tpu.memory_space<hbm>>
        tpu.enqueue_dma source(%dma_start3A_70 : memref<16384xf32, #tpu.memory_space<hbm>>) target(%arg8 : memref<16384xf32, #tpu.memory_space<vmem>>) target_semaphore(%arg12 : memref<!tpu.dma_semaphore, #tpu.memory_space<semaphore_mem>>)
      } else {
      }
      %dma_wait3A_45 = arith.constant 0 : i32
      %dma_wait3A_46 = tpu.memref_slice %arg2[%dma_wait3A_45] : memref<33554432xf32, #tpu.memory_space<hbm>> -> memref<16384xf32, #tpu.memory_space<hbm>>
      %dma_wait3A_47 = arith.constant 0 : i32
      %dma_wait3A_48 = tpu.memref_slice %arg2[%dma_wait3A_47] : memref<33554432xf32, #tpu.memory_space<hbm>> -> memref<16384xf32, #tpu.memory_space<hbm>>
      tpu.wait_dma2 semaphore(%arg13 : memref<!tpu.dma_semaphore, #tpu.memory_space<semaphore_mem>>) src(%dma_wait3A_48 : memref<16384xf32, #tpu.memory_space<hbm>>) dst(%arg9 : memref<16384xf32, #tpu.memory_space<vmem>>)
      %dma_wait3A_49 = arith.constant 0 : i32
      %dma_wait3A_50 = tpu.memref_slice %arg3[%dma_wait3A_49] : memref<33554432xf32, #tpu.memory_space<hbm>> -> memref<16384xf32, #tpu.memory_space<hbm>>
      %dma_wait3A_51 = arith.constant 0 : i32
      %dma_wait3A_52 = tpu.memref_slice %arg3[%dma_wait3A_51] : memref<33554432xf32, #tpu.memory_space<hbm>> -> memref<16384xf32, #tpu.memory_space<hbm>>
      tpu.wait_dma2 semaphore(%arg13 : memref<!tpu.dma_semaphore, #tpu.memory_space<semaphore_mem>>) src(%dma_wait3A_52 : memref<16384xf32, #tpu.memory_space<hbm>>) dst(%arg10 : memref<16384xf32, #tpu.memory_space<vmem>>)
      %scan3A_53 = arith.constant 0 : i32
      %scan3A_54 = arith.constant 256 : i32
      %scan3A_55 = arith.addi %scan3A_53, %scan3A_54 : i32
      %scan3A_56 = arith.constant 1 : i32
      %scan3A_57 = scf.for %scan3A_59 = %scan3A_53 to %scan3A_55 step %scan3A_56 iter_args(%scan3A_60 = %scan3A_41) -> (vector<16xf32>)  : i32 {
        %mul3A_61 = arith.constant 64 : i32
        %mul3A_62 = arith.muli %scan3A_59, %mul3A_61 : i32
        %multiple_of3A_63 = tpu.assume_multiple %mul3A_62, 64 : i32
        %add3A_64 = arith.constant 0 : i32
        %add3A_65 = arith.addi %multiple_of3A_63, %add3A_64 : i32
        %get3A_66 = arith.index_cast %add3A_65 : i32 to index
        %get3A_67 = tpu.vector_load %arg10[%get3A_66] {strides = array<i32>} : memref<16384xf32, #tpu.memory_space<vmem>>, vector<16xf32>,
        %get3A_68 = arith.index_cast %add3A_65 : i32 to index
        %get3A_69 = tpu.vector_load %arg9[%get3A_68] {strides = array<i32>} : memref<16384xf32, #tpu.memory_space<vmem>>, vector<16xf32>,
        %mul3A_70 = arith.mulf %get3A_67, %get3A_3 : vector<16xf32>
        %convert_element_type3A_71 = arith.fptosi %mul3A_70 : vector<16xf32> to vector<16xi32>
        %convert_element_type3A_72 = arith.sitofp %convert_element_type3A_71 : vector<16xi32> to vector<16xf32>
        %lt3A_73 = arith.cmpf olt, %convert_element_type3A_72, %mul3A_70 : vector<16xf32>
        %add3A_74 = arith.constant 1 : i32
        %add3A_75 = vector.broadcast %add3A_74 : i32 to vector<16xi32>
        %add3A_76 = arith.addi %convert_element_type3A_71, %add3A_75 : vector<16xi32>
        %select_n3A = arith.select %lt3A_73, %add3A_76, %convert_element_type3A_71 : vector<16xi1>, vector<16xi32>
        %max3A = arith.constant 0 : i32
        %max3A_77 = vector.broadcast %max3A : i32 to vector<16xi32>
        %max3A_78 = arith.maxsi %select_n3A, %max3A_77 : vector<16xi32>
        %min3A = arith.constant 21 : i32
        %min3A_79 = vector.broadcast %min3A : i32 to vector<16xi32>
        %min3A_80 = arith.minsi %max3A_78, %min3A_79 : vector<16xi32>
        %gather3A = tpu.vector_load_idx %arg6[%min3A_80] : memref<48xf32, #tpu.memory_space<vmem>>[vector<16xi32>], vector<16xf32>,
        %sub3A = arith.subf %get3A_69, %get3A_67 : vector<16xf32>
        %mul3A_81 = arith.mulf %sub3A, %sub3A : vector<16xf32>
        %mul3A_82 = arith.mulf %gather3A, %mul3A_81 : vector<16xf32>
        %add3A_83 = arith.addf %scan3A_60, %mul3A_82 : vector<16xf32>
        %add3A_84 = arith.constant 16 : i32
        %add3A_85 = arith.addi %multiple_of3A_63, %add3A_84 : i32
        %get3A_86 = arith.index_cast %add3A_85 : i32 to index
        %get3A_87 = tpu.vector_load %arg10[%get3A_86] {strides = array<i32>} : memref<16384xf32, #tpu.memory_space<vmem>>, vector<16xf32>,
        %get3A_88 = arith.index_cast %add3A_85 : i32 to index
        %get3A_89 = tpu.vector_load %arg9[%get3A_88] {strides = array<i32>} : memref<16384xf32, #tpu.memory_space<vmem>>, vector<16xf32>,
        %mul3A_90 = arith.mulf %get3A_87, %get3A_3 : vector<16xf32>
        %convert_element_type3A_91 = arith.fptosi %mul3A_90 : vector<16xf32> to vector<16xi32>
        %convert_element_type3A_92 = arith.sitofp %convert_element_type3A_91 : vector<16xi32> to vector<16xf32>
        %lt3A_93 = arith.cmpf olt, %convert_element_type3A_92, %mul3A_90 : vector<16xf32>
        %add3A_94 = arith.constant 1 : i32
        %add3A_95 = vector.broadcast %add3A_94 : i32 to vector<16xi32>
        %add3A_96 = arith.addi %convert_element_type3A_91, %add3A_95 : vector<16xi32>
        %select_n3A_97 = arith.select %lt3A_93, %add3A_96, %convert_element_type3A_91 : vector<16xi1>, vector<16xi32>
        %max3A_98 = arith.constant 0 : i32
        %max3A_99 = vector.broadcast %max3A_98 : i32 to vector<16xi32>
        %max3A_100 = arith.maxsi %select_n3A_97, %max3A_99 : vector<16xi32>
        %min3A_101 = arith.constant 21 : i32
        %min3A_102 = vector.broadcast %min3A_101 : i32 to vector<16xi32>
        %min3A_103 = arith.minsi %max3A_100, %min3A_102 : vector<16xi32>
        %gather3A_104 = tpu.vector_load_idx %arg6[%min3A_103] : memref<48xf32, #tpu.memory_space<vmem>>[vector<16xi32>], vector<16xf32>,
        %sub3A_105 = arith.subf %get3A_89, %get3A_87 : vector<16xf32>
        %mul3A_106 = arith.mulf %sub3A_105, %sub3A_105 : vector<16xf32>
        %mul3A_107 = arith.mulf %gather3A_104, %mul3A_106 : vector<16xf32>
        %add3A_108 = arith.addf %add3A_83, %mul3A_107 : vector<16xf32>
        %add3A_109 = arith.constant 32 : i32
        %add3A_110 = arith.addi %multiple_of3A_63, %add3A_109 : i32
        %get3A_111 = arith.index_cast %add3A_110 : i32 to index
        %get3A_112 = tpu.vector_load %arg10[%get3A_111] {strides = array<i32>} : memref<16384xf32, #tpu.memory_space<vmem>>, vector<16xf32>,
        %get3A_113 = arith.index_cast %add3A_110 : i32 to index
        %get3A_114 = tpu.vector_load %arg9[%get3A_113] {strides = array<i32>} : memref<16384xf32, #tpu.memory_space<vmem>>, vector<16xf32>,
        %mul3A_115 = arith.mulf %get3A_112, %get3A_3 : vector<16xf32>
        %convert_element_type3A_116 = arith.fptosi %mul3A_115 : vector<16xf32> to vector<16xi32>
        %convert_element_type3A_117 = arith.sitofp %convert_element_type3A_116 : vector<16xi32> to vector<16xf32>
        %lt3A_118 = arith.cmpf olt, %convert_element_type3A_117, %mul3A_115 : vector<16xf32>
        %add3A_119 = arith.constant 1 : i32
        %add3A_120 = vector.broadcast %add3A_119 : i32 to vector<16xi32>
        %add3A_121 = arith.addi %convert_element_type3A_116, %add3A_120 : vector<16xi32>
        %select_n3A_122 = arith.select %lt3A_118, %add3A_121, %convert_element_type3A_116 : vector<16xi1>, vector<16xi32>
        %max3A_123 = arith.constant 0 : i32
        %max3A_124 = vector.broadcast %max3A_123 : i32 to vector<16xi32>
        %max3A_125 = arith.maxsi %select_n3A_122, %max3A_124 : vector<16xi32>
        %min3A_126 = arith.constant 21 : i32
        %min3A_127 = vector.broadcast %min3A_126 : i32 to vector<16xi32>
        %min3A_128 = arith.minsi %max3A_125, %min3A_127 : vector<16xi32>
        %gather3A_129 = tpu.vector_load_idx %arg6[%min3A_128] : memref<48xf32, #tpu.memory_space<vmem>>[vector<16xi32>], vector<16xf32>,
        %sub3A_130 = arith.subf %get3A_114, %get3A_112 : vector<16xf32>
        %mul3A_131 = arith.mulf %sub3A_130, %sub3A_130 : vector<16xf32>
        %mul3A_132 = arith.mulf %gather3A_129, %mul3A_131 : vector<16xf32>
        %add3A_133 = arith.addf %add3A_108, %mul3A_132 : vector<16xf32>
        %add3A_134 = arith.constant 48 : i32
        %add3A_135 = arith.addi %multiple_of3A_63, %add3A_134 : i32
        %get3A_136 = arith.index_cast %add3A_135 : i32 to index
        %get3A_137 = tpu.vector_load %arg10[%get3A_136] {strides = array<i32>} : memref<16384xf32, #tpu.memory_space<vmem>>, vector<16xf32>,
        %get3A_138 = arith.index_cast %add3A_135 : i32 to index
        %get3A_139 = tpu.vector_load %arg9[%get3A_138] {strides = array<i32>} : memref<16384xf32, #tpu.memory_space<vmem>>, vector<16xf32>,
        %mul3A_140 = arith.mulf %get3A_137, %get3A_3 : vector<16xf32>
        %convert_element_type3A_141 = arith.fptosi %mul3A_140 : vector<16xf32> to vector<16xi32>
        %convert_element_type3A_142 = arith.sitofp %convert_element_type3A_141 : vector<16xi32> to vector<16xf32>
        %lt3A_143 = arith.cmpf olt, %convert_element_type3A_142, %mul3A_140 : vector<16xf32>
        %add3A_144 = arith.constant 1 : i32
        %add3A_145 = vector.broadcast %add3A_144 : i32 to vector<16xi32>
        %add3A_146 = arith.addi %convert_element_type3A_141, %add3A_145 : vector<16xi32>
        %select_n3A_147 = arith.select %lt3A_143, %add3A_146, %convert_element_type3A_141 : vector<16xi1>, vector<16xi32>
        %max3A_148 = arith.constant 0 : i32
        %max3A_149 = vector.broadcast %max3A_148 : i32 to vector<16xi32>
        %max3A_150 = arith.maxsi %select_n3A_147, %max3A_149 : vector<16xi32>
        %min3A_151 = arith.constant 21 : i32
        %min3A_152 = vector.broadcast %min3A_151 : i32 to vector<16xi32>
        %min3A_153 = arith.minsi %max3A_150, %min3A_152 : vector<16xi32>
        %gather3A_154 = tpu.vector_load_idx %arg6[%min3A_153] : memref<48xf32, #tpu.memory_space<vmem>>[vector<16xi32>], vector<16xf32>,
        %sub3A_155 = arith.subf %get3A_139, %get3A_137 : vector<16xf32>
        %mul3A_156 = arith.mulf %sub3A_155, %sub3A_155 : vector<16xf32>
        %mul3A_157 = arith.mulf %gather3A_154, %mul3A_156 : vector<16xf32>
        %add3A_158 = arith.addf %add3A_133, %mul3A_157 : vector<16xf32>
        scf.yield %add3A_158 : vector<16xf32>
      }
      %scan3A_58 = arith.constant 256 : i32
      scf.yield %scan3A_57 : vector<16xf32>
    }
    %scan3A_14 = arith.constant 32 : i32
    %swap3A = arith.constant 0 : index
    %swap3A_15 = tpu.vector_load %arg11[%swap3A] {strides = array<i32>} : memref<16xf32, #tpu.memory_space<vmem>>, vector<16xf32>,
    tpu.vector_store %arg11[%swap3A], %scan3A_13 {strides = array<i32>} : memref<16xf32, #tpu.memory_space<vmem>>, vector<16xf32>,
    "tpu.region"() ({
      %run_scoped3A = tpu.sem_alloc : memref<!tpu.dma_semaphore, #tpu.memory_space<semaphore_mem>>
      %dma_start3A_16 = arith.constant 0 : i32
      %dma_start3A_17 = tpu.memref_slice %arg5[%add3A, %dma_start3A_16] : memref<32x16xf32, #tpu.memory_space<hbm>> -> memref<1x16xf32, #tpu.memory_space<hbm>>
      %dma_start3A_18 = tpu.memref_squeeze %dma_start3A_17 : memref<1x16xf32, #tpu.memory_space<hbm>> -> memref<16xf32, #tpu.memory_space<hbm>>
      %dma_start3A_19 = arith.constant 0 : i32
      %dma_start3A_20 = tpu.memref_slice %arg5[%add3A, %dma_start3A_19] : memref<32x16xf32, #tpu.memory_space<hbm>> -> memref<1x16xf32, #tpu.memory_space<hbm>>
      %dma_start3A_21 = tpu.memref_squeeze %dma_start3A_20 : memref<1x16xf32, #tpu.memory_space<hbm>> -> memref<16xf32, #tpu.memory_space<hbm>>
      tpu.enqueue_dma source(%arg11 : memref<16xf32, #tpu.memory_space<vmem>>) target(%dma_start3A_21 : memref<16xf32, #tpu.memory_space<hbm>>) target_semaphore(%run_scoped3A : memref<!tpu.dma_semaphore, #tpu.memory_space<semaphore_mem>>)
      %dma_wait3A = arith.constant 0 : i32
      %dma_wait3A_22 = tpu.memref_slice %arg5[%add3A, %dma_wait3A] : memref<32x16xf32, #tpu.memory_space<hbm>> -> memref<1x16xf32, #tpu.memory_space<hbm>>
      %dma_wait3A_23 = tpu.memref_squeeze %dma_wait3A_22 : memref<1x16xf32, #tpu.memory_space<hbm>> -> memref<16xf32, #tpu.memory_space<hbm>>
      %dma_wait3A_24 = arith.constant 0 : i32
      %dma_wait3A_25 = tpu.memref_slice %arg5[%add3A, %dma_wait3A_24] : memref<32x16xf32, #tpu.memory_space<hbm>> -> memref<1x16xf32, #tpu.memory_space<hbm>>
      %dma_wait3A_26 = tpu.memref_squeeze %dma_wait3A_25 : memref<1x16xf32, #tpu.memory_space<hbm>> -> memref<16xf32, #tpu.memory_space<hbm>>
      tpu.wait_dma2 semaphore(%run_scoped3A : memref<!tpu.dma_semaphore, #tpu.memory_space<semaphore_mem>>) src(%arg11 : memref<16xf32, #tpu.memory_space<vmem>>) dst(%dma_wait3A_26 : memref<16xf32, #tpu.memory_space<hbm>>)
      tpu.yield
    }) : () -> ()
    return
  }
}

</mosaic_0001>

<sc_bundles>
// kernel: kernel.3.cloned.1.call-start
scs
__scs_entry_jumppad:
0x0: {  	(pc) =	sbr.rel $0x88, $3  }
0x1: {  	(tag) =	ssettag $0x0;
	lr =	simm.s32 $0x1  }
0x2: {  	[smem:$0x3F9D] =	sst lr;
	_ =	strace $0xD0000000  }
0x3: {  	_ = 	snop  }
0x4: {  	_ = 	snop  }
0x5: {  	_ = 	snop  }
0x6: {  	_ = 	snop  }
0x7: {  	_ = 	snop  }
__scs_overlays_trampoline_lowered:
0x8: {  	[smem:$0x3FAC] =	sst s0  }
0x9: {  	[smem:$0x3FAD] =	sst s1  }
0xa: {  	[smem:$0x3FAE] =	sst s2  }
0xb: {  	[smem:$0x3FAF] =	sst s3  }
0xc: {  	[smem:$0x3FB0] =	sst s4  }
0xd: {  	[smem:$0x3FB1] =	sst s5  }
0xe: {  	[smem:$0x3FB2] =	sst s6  }
0xf: {  	[smem:$0x3FB3] =	sst s7  }
0x10: {  	[smem:$0x3FB4] =	sst s8  }
0x11: {  	[smem:$0x3FB5] =	sst s9;
	s0 =	simm.s32 @!p0 $0x0  }
0x12: {  	s1 =	sld [smem:$0x3F9B];
	s0 =	simm.s32 @p0 $0x1  }
0x13: {  	[smem:$0x3FB6] =	sst s0;
	s0 =	simm.s32 @!p1 $0x0  }
0x14: {  	s2 =	sld [smem:$0x3F9A];
	s0 =	simm.s32 @p1 $0x1  }
0x15: {  	[smem:$0x3FB7] =	sst s0;
	s0 =	simm.s32 @!p2 $0x0  }
0x16: {  	s3 =	sld [smem:$0x3FDB];
	s0 =	simm.s32 @p2 $0x1  }
0x17: {  	s4 =	simm.s32 $0x1BF5;
	[smem:$0x3FB9] =	sst s0  }
0x18: {  	s0 =	sld [smem:$0x3F9C];
	_ =	swait.ge [sflag:s4], $0x0  }
0x19: {  	s7 =	sld [smem:$0x3F9D]  }
0x1a: {  	s8 =	sadd.s32 $0xFFFFE003, lr  }
0x1b: {  	s9 =	sadd.s32 $0xFFFFFEF7, lr;
	s5 =	simm.s32 $0xFFFFFFFF;
	p2 =	slt.u32 s8, $0xFFFFF086  }
0x1c: {  	p1 =	slt.u32 s9, $0xF7A;
	s5 =	simm.s32 @!p2 $0x0  }
0x1d: {  	s5 =	simm.s32 @p1 $0x1;
	p0 =	seq.s32 s7, s2  }
0x1e: {  	s7 =	smul.u32 @!p0 $0xF7A, s2;
	p2 =	seq.s32 @!p0 s5, $0x0  }
0x1f: {  	s9 =	smul.u32 $0xF7A, s1;
	s8 =	simm.s32 @!p0 $0x1BF5;
	p2 =	por !p2, p0  }
0x20: {  	[sflag:s8] =	ssyncset.s32 @!p0 $0xFFFFF086;
	s6 =	sadd.s32 @!p0 s3, s7;
	s7 =	simm.s32 @!p0 $0x108  }
0x21: {  	s3 =	sadd.s32 s3, s9;
	s6 =	sadd.s32 @!p0 $0x88, s6;
	s7 =	simm.s32 @p2 $0x1082  }
0x22: {  	[simem:s7], [sflag:s8] =	dma.local @!p0 [hbm:s6], $0xF7A  }
0x23: {  	s9 =	sor.u32 $0xD0000000, s2;
	s6 =	simm.s32 $0x108;
	_ =	swait.ge @!p0 [sflag:s8], $0x0  }
0x24: {  	s3 =	sadd.s32 $0x88, s3;
	s6 =	simm.s32 @!p1 $0x1082;
	[sflag:s4] =	ssyncset.s32 $0xFFFFF086  }
0x25: {  	[simem:s6], [sflag:s4] =	dma.local [hbm:s3], $0xF7A  }
0x26: {  	[smem:$0x3F9D] =	sst s1;
	(tag) =	ssettag s2;
	_ =	strace s9  }
0x27: {  	s1 =	sld [smem:$0x3FAD]  }
0x28: {  	s2 =	sld [smem:$0x3FAE]  }
0x29: {  	s4 =	sld [smem:$0x3FB0]  }
0x2a: {  	p0 =	seq.s32 s5, $0x0;
	s5 =	sld [smem:$0x3FB1]  }
0x2b: {  	s6 =	sld [smem:$0x3FB2]  }
0x2c: {  	s7 =	sld [smem:$0x3FB3]  }
0x2d: {  	s3 =	simm.s32 $0x108;
	s8 =	sld [smem:$0x3FB4]  }
0x2e: {  	s3 =	simm.s32 @!p0 $0x1082;
	s9 =	sld [smem:$0x3FB5]  }
0x2f: {  	lr =	sadd.s32 s0, s3;
	s0 =	sld [smem:$0x3FAC]  }
0x30: {  	s3 =	sld [smem:$0x3FAF]  }
0x31: {  	[smem:$0x3FB8] =	sst s10  }
0x32: {  	s10 =	sld [smem:$0x3FB6];
	_ =	sdelay $0x3  }
0x33: {  	p0 =	seq.s32 s10, $0x1;
	s10 =	sld [smem:$0x3FB8];
	_ =	sdelay $0x3  }
0x34: {  	[smem:$0x3FB8] =	sst s10  }
0x35: {  	s10 =	sld [smem:$0x3FB7];
	_ =	sdelay $0x3  }
0x36: {  	p1 =	seq.s32 s10, $0x1;
	s10 =	sld [smem:$0x3FB8];
	_ =	sdelay $0x3  }
0x37: {  	[smem:$0x3FB8] =	sst s10  }
0x38: {  	s10 =	sld [smem:$0x3FB9]  }
0x39: {  	_ = 	snop;
	(pc) =	sbr.ind lr, $3  }
0x3a: {  	_ = 	snop  }
0x3b: {  	_ = 	snop  }
0x3c: {  	p2 =	seq.s32 s10, $0x1;
	s10 =	sld [smem:$0x3FB8]  }
0x3d: {  	_ =	shalt  }
0x3e: {  	_ =	shalt  }
0x3f: {  	_ =	shalt  }
0x40: {  	_ =	shalt  }
0x41: {  	_ =	shalt  }
0x42: {  	_ =	shalt  }
0x43: {  	_ =	shalt  }
0x44: {  	_ =	shalt  }
0x45: {  	_ =	shalt  }
0x46: {  	_ =	shalt  }
0x47: {  	_ =	shalt  }
0x48: {  	_ =	shalt  }
0x49: {  	_ =	shalt  }
0x4a: {  	_ =	shalt  }
0x4b: {  	_ =	shalt  }
0x4c: {  	_ =	shalt  }
0x4d: {  	_ =	shalt  }
0x4e: {  	_ =	shalt  }
0x4f: {  	_ =	shalt  }
0x50: {  	_ =	shalt  }
0x51: {  	_ =	shalt  }
0x52: {  	_ =	shalt  }
0x53: {  	_ =	shalt  }
0x54: {  	_ =	shalt  }
0x55: {  	_ =	shalt  }
0x56: {  	_ =	shalt  }
0x57: {  	_ =	shalt  }
0x58: {  	_ =	shalt  }
0x59: {  	_ =	shalt  }
0x5a: {  	_ =	shalt  }
0x5b: {  	_ =	shalt  }
0x5c: {  	_ =	shalt  }
0x5d: {  	_ =	shalt  }
0x5e: {  	_ =	shalt  }
0x5f: {  	_ =	shalt  }
0x60: {  	_ =	shalt  }
0x61: {  	_ =	shalt  }
0x62: {  	_ =	shalt  }
0x63: {  	_ =	shalt  }
0x64: {  	_ =	shalt  }
0x65: {  	_ =	shalt  }
0x66: {  	_ =	shalt  }
0x67: {  	_ =	shalt  }
0x68: {  	_ =	shalt  }
0x69: {  	_ =	shalt  }
0x6a: {  	_ =	shalt  }
0x6b: {  	_ =	shalt  }
0x6c: {  	_ =	shalt  }
0x6d: {  	_ =	shalt  }
0x6e: {  	_ =	shalt  }
0x6f: {  	_ =	shalt  }
0x70: {  	_ =	shalt  }
0x71: {  	_ =	shalt  }
0x72: {  	_ =	shalt  }
0x73: {  	_ =	shalt  }
0x74: {  	_ =	shalt  }
0x75: {  	_ =	shalt  }
0x76: {  	_ =	shalt  }
0x77: {  	_ =	shalt  }
0x78: {  	_ =	shalt  }
0x79: {  	_ =	shalt  }
0x7a: {  	_ =	shalt  }
0x7b: {  	_ =	shalt  }
0x7c: {  	_ =	shalt  }
0x7d: {  	_ =	shalt  }
0x7e: {  	_ =	shalt  }
0x7f: {  	_ =	shalt  }
0x80: {  	_ =	shalt  }
0x81: {  	_ =	shalt  }
0x82: {  	_ =	shalt  }
0x83: {  	_ =	shalt  }
0x84: {  	_ =	shalt  }
0x85: {  	_ =	shalt  }
0x86: {  	_ =	shalt  }
0x87: {  	_ =	shalt  }
.Lfunc_end0:
.L_simem_size_0:
called_computation.2_lowered:
.L_overlay_start_0:
0x88: {  	s2 =	sld [smem:$0x3FD9]  }
0x89: {  	s3 =	sld [smem:$0x3FFE];
	_ =	sdelay $0x1  }
0x8a: {  	s1 =	srdreg.scid  }
0x8b: {  	s0 =	sand.u32 $0x1, s1  }
0x8c: {  	s16 =	sshll.u32 s0, $0xA;
	s2 =	sadd.s32 s3, s2  }
0x8d: {  	s2 =	sadd.s32 s2, s16  }
0x8e: {  	[smem:$0x3FC4] =	sst s2  }
0x8f: {  	_ = 	snop  }
0x90: {  	(tm) =	ssettm $0x1  }
0x91: {  	s17 =	sld [smem:$0x3FFB];
	_ =	sdelay $0x3  }
0x92: {  	_ =	strace s17  }
0x93: {  	s2 =	sld [smem:$0x3FFC];
	_ =	sdelay $0x3  }
0x94: {  	_ =	strace s2  }
0x95: {  	s2 =	sld [smem:$0x3FFD];
	_ =	sdelay $0x3  }
0x96: {  	_ =	strace s2  }
0x97: {  	_ =	strace $0x8FFFFFFF  }
0x98: {  	s18 =	sld [smem:$0x3FDB];
	_ =	sdelay $0x1  }
0x99: {  	s19 =	simm.s32 $_scs_section_size  }
0x9a: {  	s4 =	simm.s32 $_size__tile_overlayer_lowered;
	s5 =	simm.s32 $_tile_overlayer_lowered  }
0x9b: {  	s22 =	simm.s32 $0x1BFF;
	s21 =	sshll.u32 s5, $0x1;
	s2 =	sadd.s32 s19, s18  }
0x9c: {  	s6 =	simm.s32 $0x0;
	s20 =	sshll.u32 s4, $0x1;
	s4 =	sadd.s32 s21, s2  }
0x9d: {  	[timem:s6], [sflag:s22] =	dma.local [hbm:s4], s20  }
0x9e: {  	_ =	swait.ge [sflag:s22], s20  }
0x9f: {  	s3 =	ssub.s32 $0x0, s20;
	[sflag:s22] =	ssyncset.done $0x0  }
0xa0: {  	[sflag:s22] =	ssyncadd.s32 s3;
	_ =	sdelay $0x1  }
0xa1: {  	s23 =	simm.s32 $0x1B8B  }
0xa2: {  	_ =	swait.ge [sflag:s23], $0x1  }
0xa3: {  	[sflag:s23] =	ssyncset.done $0x0  }
0xa4: {  	s25 =	simm.s32 $0x1B8E;
	s24 =	sld [smem:$0x3FFE];
	[sflag:s23] =	ssyncadd.s32 $0xFFFFFFFF  }
0xa5: {  	s26 =	simm.s32 $execute0_lowered;
	[smem:$0x3FD2] =	sst s25  }
0xa6: {  	s4 =	sshll.u32 s26, $0x1;
	_ =	strace $0x8000004C;
	[dreg:$0x1] =	wrdreg $0xFFFFFFFF  }
0xa7: {  	s28 =	simm.s32 $_size_execute0_lowered;
	s2 =	sadd.s32 s2, s4;
	[dreg:$0x0] =	wrdreg $0x0  }
0xa8: {  	s4 =	sshll.u32 s28, $0x1;
	[dreg:$0x2] =	wrdreg s2  }
0xa9: {  	[dreg:$0x3] =	wrdreg s4  }
0xaa: {  	[dreg:$0x4] =	wrdreg $0xC0  }
0xab: {  	_ =	task [dreg:s6], $0x5FFFF  }
0xac: {  	[dreg:$0x1] =	wrdreg $0xFFFFFFFF  }
0xad: {  	[dreg:$0x0] =	wrdreg $0x60  }
0xae: {  	[dreg:$0x2] =	wrdreg s24  }
0xaf: {  	[dreg:$0x3] =	wrdreg $0x9  }
0xb0: {  	_ =	task.clear_ibuf [dreg:s6], $0x4FFFF;
	_ =	strace $0x9000004C  }
0xb1: {  	s29 =	simm.s32 $0x9;
	_ =	strace $0x8000004E  }
0xb2: {  	_ =	swait.ge [sflag:s29], $0x1  }
0xb3: {  	[sflag:s29] =	ssyncadd.s32 $0xFFFFFFFF  }
0xb4: {  	_ =	strace $0x9000004E  }
0xb5: {  	_ =	sfence  }
0xb6: {  	s30 =	sld [smem:$0x0];
	_ =	sdelay $0x2  }
0xb7: {  	s31 =	sshll.u32 s1, $0xD;
	s1 =	sshrl.u32 s1, $0x2  }
0xb8: {  	s3 =	sand.u32 $0x4000, s31;
	s1 =	sadd.s32 s1, s30  }
0xb9: {  	s0 =	sor.u32 s3, s0;
	s1 =	sshll.u32 s1, $0x11  }
0xba: {  	s0 =	sor.u32 s1, s0  }
0xbb: {  	s0 =	sadd.s32 $0x8F2B, s0  }
0xbc: {  	[sflag:s0] =	ssyncadd.remote.s32 $0x1  }
0xbd: {  	_ =	sfence.sel $0xFFFF  }
0xbe: {  	[dreg:$0x0] =	wrdreg $0xFFFFFFFF;
	(pc) =	sbr.abs _section_cstart, $3  }
0xbf: {  	[dreg:$0x1] =	wrdreg $0xFFFFFFFF  }
0xc0: {  	_ =	task.clear_ibuf [dreg:s6], $0x2FFFF;
	_ =	strace $0x9FFFFFFF  }
0xc1: {  	(tm) =	ssettm $0x7FFFFFFF  }
tec
execute0_lowered:
.L_overlay_start_1:
0x0: {  	(tag) =	ssettag $0x1  }
0x1: {  	s6 =	rddreg [dreg:$0x0]  }
0x2: {  	s0 =	rddreg [dreg:$0x1];
	s2 =	simm.s32 $0x0;
	s4 =	srdreg.scid  }
0x3: {  	s1 =	stileid.u32;
	s13 =	simm.s32 $0x80;
	s14 =	simm.s32 $0x4080  }
0x4: {  	s15 =	simm.s32 $0x8080;
	s16 =	simm.s32 $0xC080;
	s17 =	simm.s32 $0x1  }
0x5: {  	s18 =	simm.s32 $0x2;
	s19 =	simm.s32 $0x10080;
	s20 =	simm.s32 $0x0  }
0x6: {  	[smem:$0x7FF] =	sst s2;
	s3 =	sadd.s32 $0xE00, s6;
	s5 =	sand.u32 $0x1, s4  }
0x7: {  	s7 =	sshll.u32 s1, $0x1;
	s4 =	sadd.s32 $0x400E00, s6;
	_ =	strace $0x8000004D  }
0x8: {  	s7 =	sor.u32 s5, s7;
	s8 =	ssub.s32 $0x2, s5;
	s5 =	sadd.s32 $0x800E00, s6  }
0x9: {  	s9 =	sshll.u32 s7, $0x4;
	s10 =	sshrl.u32 s8, $0x1;
	s31 =	sshll.u32 s7, $0x11  }
0xa: {  	s11 =	sadd.s32 s9, s6;
	s12 =	ssub.s32 s8, s10;
	s6 =	sshll.u32 s7, $0x14  }
0xb: {  	s7 =	sadd.s32 s3, s31;
	s8 =	sadd.s32 s4, s31;
	s9 =	sor.u32 $0x8000, s6  }
0xc: {  	v0 =	vimm.s32 $0x0;
	s10 =	sadd.s32 $0x801000, s11;
	s11 =	smax.u32 s12, $0x1;
	s12 =	simm.s32 $0x3  }
.LBB2_1:
0xd: {  	[tilespmem:s2], [sflag:$0x3] =	stream.linear.gather [hbm4b:s5+s2], $0x80, $0x38;
	[tilespmem:$0x10100] =	vst v63  }
0xe: {  	_ =	swait.ge [sflag:s12], $0x80  }
0xf: {  	[sflag:s12] =	ssyncset.done $0x0  }
0x10: {  	[sflag:s12] =	ssyncadd.s32 $0xFFFFFF80  }
0x11: {  	v1 =	vld [tilespmem:$0x20];
	_ =	sdelay $0x1  }
0x12: {  	[tilespmem:s13], [sflag:$0x1] =	stream.linear.gather [hbm4b:s7+s2], $0x4000, $0x38;
	[tilespmem:$0x10100] =	vst v63  }
0x13: {  	s21 =	simm.s32 $0x0  }
0x14: {  	v2 =	vimm.f32 $0.0e+00;
	[tilespmem:s14], [sflag:$0x1] =	stream.linear.gather [hbm4b:s8+s2], $0x4000, $0x38;
	[tilespmem:$0x10100] =	vst v63  }
.LBB2_2:
0x15: {  	s22 =	sshll.u32 s21, $0xF  }
0x16: {  	s23 =	sor.u32 s22, s6  }
0x17: {  	s23 =	sshrl.u32 s23, $0x3  }
0x18: {  	s23 =	sor.u32 $0x800, s23  }
0x19: {  	s25 =	simm.s32 $0x0;
	s24 =	sadd.s32 s3, s23  }
0x1a: {  	[tilespmem:s15], [sflag:$0x2] =	stream.linear.gather [hbm4b:s24+s25], $0x4000, $0x38;
	[tilespmem:$0x10100] =	vst v63  }
0x1b: {  	s23 =	sadd.s32 s4, s23  }
0x1c: {  	[tilespmem:s16], [sflag:$0x2] =	stream.linear.gather [hbm4b:s23+s25], $0x4000, $0x38;
	[tilespmem:$0x10100] =	vst v63  }
0x1d: {  	_ =	swait.ge [sflag:s17], $0x4000  }
0x1e: {  	[sflag:s17] =	ssyncset.done $0x0  }
0x1f: {  	[sflag:s17] =	ssyncadd.s32 $0xFFFFC000  }
0x20: {  	_ =	swait.ge [sflag:s17], $0x4000  }
0x21: {  	[sflag:s17] =	ssyncset.done $0x0  }
0x22: {  	s31 =	simm.s32 $0x0;
	[sflag:s17] =	ssyncadd.s32 $0xFFFFC000  }
0x23: {  	v3 =	vld [tilespmem:s31+$0x40B0]  }
0x24: {  	v4 =	vld [tilespmem:s31+$0x40A0]  }
0x25: {  	v12 =	vld [tilespmem:s31+$0x4080]  }
0x26: {  	v9 =	vld [tilespmem:s31+$0x4090]  }
0x27: {  	v5 =	vld [tilespmem:s31+$0xB0]  }
0x28: {  	v6 =	vld [tilespmem:s31+$0xA0];
	_ =	sdelay $0x1  }
0x29: {  	v7 =	vmul.f32 v4, v1  }
0x2a: {  	v8 =	vmul.f32 v3, v1;
	v10 =	vmul.f32 v12, v1  }
0x2b: {  	v11 =	vmul.f32 v9, v1;
	v3 =	vsub.f32 v5, v3;
	v13 =	vtrunc.f32 v7  }
0x2c: {  	v4 =	vsub.f32 v6, v4;
	v14 =	vtrunc.f32 v8;
	v5 =	vtrunc.f32 v10  }
0x2d: {  	v15 =	vtrunc.f32 v11;
	v6 =	vcvt.f32.s32 v5;
	vm1 =	vgt.f32 v10, v5  }
0x2e: {  	v16 =	vcvt.f32.s32 v14;
	vm2 =	vgt.f32 v11, v15;
	v11 =	vld [tilespmem:s31+$0x90];
	v5 =	vsel vm1, $0x1, v0  }
0x2f: {  	s23 =	simm.s32 $0x40;
	vm0 =	vgt.f32 v8, v14;
	v8 =	vcvt.f32.s32 v15;
	v15 =	vld [tilespmem:s31+$0x80];
	v17 =	vadd.s32 v6, v5  }
0x30: {  	v10 =	vcvt.f32.s32 v13;
	v14 =	vsel vm2, $0x1, v0;
	v5 =	vld [tilespmem:s23+$0x40B0];
	vm1 =	vgt.s32 v17, $0x0  }
0x31: {  	vm2 =	vgt.f32 v7, v13;
	v14 =	vadd.s32 v8, v14;
	v6 =	vld [tilespmem:s23+$0x40A0];
	v7 =	vnsel vm1, $0x0, v17  }
0x32: {  	v8 =	vld [tilespmem:s23+$0x4090];
	vm1 =	vgt.s32 v14, $0x0;
	v17 =	vsel vm2, $0x1, v0;
	v13 =	vmin.u32 v7, $0x15  }
0x33: {  	v7 =	vnsel vm1, $0x0, v14;
	v17 =	vadd.s32 v10, v17;
	v10 =	vld [tilespmem:s23+$0x4080]  }
0x34: {  	v18 =	vsel vm0, $0x1, v0;
	v14 =	vmin.u32 v7, $0x15;
	vm1 =	vgt.s32 v17, $0x0  }
0x35: {  	v16 =	vadd.s32 v16, v18;
	v11 =	vsub.f32 v11, v9;
	v9 =	vld [tilespmem:s23+$0xA0];
	v17 =	vnsel vm1, $0x0, v17  }
0x36: {  	s24 =	simm.s32 $0x200;
	vm0 =	vgt.s32 v16, $0x0;
	v12 =	vsub.f32 v15, v12;
	v7 =	vld [tilespmem:s23+$0xB0];
	v15 =	vmin.u32 v17, $0x15  }
.LBB2_3:
0x37: {  	p0 =	sne.s32 s24, $0xFF00;
	v17 =	vmul.f32 v6, v1;
	v18 =	vmul.f32 v5, v1;
	v13 =	vld.idx.msk [tilespmem:v13+s2+$0x0], $0xffff;
	v16 =	vnsel vm0, $0x0, v16;
	v19 =	vmovc v8  }
0x38: {  	v8 =	vmul.f32 v10, v1;
	v20 =	vmul.f32 v19, v1;
	v16 =	vmin.u32 v16, $0x15;
	v21 =	vmovc v10  }
0x39: {  	v22 =	vmul.f32 v3, v3;
	v10 =	vld.idx.msk [tilespmem:v14+s2+$0x0], $0xffff;
	v14 =	vmul.f32 v4, v4  }
0x3a: {  	v11 =	vmul.f32 v11, v11;
	v12 =	vmul.f32 v12, v12  }
0x3b: {  	v23 =	vtrunc.f32 v17;
	v24 =	vtrunc.f32 v18;
	v3 =	vsub.f32 v7, v5;
	v5 =	vld.idx.msk [tilespmem:v15+s2+$0x0], $0xffff  }
0x3c: {  	v7 =	vtrunc.f32 v8;
	v15 =	vtrunc.f32 v20;
	v4 =	vsub.f32 v9, v6  }
0x3d: {  	vm0 =	vgt.f32 v18, v24;
	v9 =	vcvt.f32.s32 v24;
	v6 =	vmul.f32 v12, v13;
	v12 =	vld.idx.msk [tilespmem:v16+s2+$0x0], $0xffff  }
0x3e: {  	v13 =	vcvt.f32.s32 v7;
	vm1 =	vgt.f32 v20, v15;
	v16 =	vcvt.f32.s32 v23  }
0x3f: {  	vm2 =	vgt.f32 v8, v7;
	v2 =	vadd.f32 v6, v2;
	v6 =	vmul.f32 v11, v10  }
0x40: {  	v7 =	vsel vm2, $0x1, v0;
	v8 =	vcvt.f32.s32 v15;
	v10 =	vsel vm1, $0x1, v0;
	v11 =	vld [tilespmem:s23+$0x90]  }
0x41: {  	v7 =	vadd.s32 v13, v7;
	v2 =	vadd.f32 v6, v2;
	v13 =	vmul.f32 v14, v5;
	v15 =	vld [tilespmem:s23+$0x80];
	s23 =	sshra.s32 s24, $0x2  }
0x42: {  	vm2 =	vgt.f32 v17, v23;
	vm1 =	vgt.s32 v7, $0x0;
	v14 =	vadd.s32 v8, v10;
	v5 =	vld [tilespmem:s23+$0x40B0]  }
0x43: {  	v7 =	vnsel vm1, $0x0, v7;
	v2 =	vadd.f32 v13, v2;
	v12 =	vmul.f32 v22, v12;
	v6 =	vld [tilespmem:s23+$0x40A0]  }
.Ltmp0:
0x44: {  	vm1 =	vgt.s32 v14, $0x0;
	v13 =	vmin.u32 v7, $0x15;
	v7 =	vsel vm2, $0x1, v0;
	v8 =	vld [tilespmem:s23+$0x4090];
	(pc) =	sbr.rel @p0 .LBB2_3-.Ltmp0, $4  }
0x45: {  	v14 =	vnsel vm1, $0x0, v14;
	v16 =	vadd.s32 v16, v7;
	v2 =	vadd.f32 v12, v2;
	v10 =	vld [tilespmem:s23+$0x4080]  }
0x46: {  	v14 =	vmin.u32 v14, $0x15;
	vm1 =	vgt.s32 v16, $0x0;
	v12 =	vsel vm0, $0x1, v0  }
0x47: {  	v11 =	vsub.f32 v11, v19;
	v17 =	vnsel vm1, $0x0, v16;
	v16 =	vadd.s32 v9, v12;
	v7 =	vld [tilespmem:s23+$0xB0]  }
0x48: {  	s24 =	sadd.s32 $0x100, s24;
	v12 =	vsub.f32 v15, v21;
	v15 =	vmin.u32 v17, $0x15;
	vm0 =	vgt.s32 v16, $0x0;
	v9 =	vld [tilespmem:s23+$0xA0]  }
0x49: {  	v19 =	vmul.f32 v6, v1  }
0x4a: {  	v21 =	vmul.f32 v8, v1;
	v17 =	vmul.f32 v10, v1  }
0x4b: {  	v16 =	vnsel vm0, $0x0, v16;
	v56 =	vtrunc.f32 v19  }
0x4c: {  	v16 =	vmin.u32 v16, $0x15;
	v23 =	vtrunc.f32 v21;
	v18 =	vtrunc.f32 v17  }
0x4d: {  	v57 =	vcvt.f32.s32 v23;
	vm2 =	vgt.f32 v19, v56;
	v19 =	vcvt.f32.s32 v56  }
0x4e: {  	v20 =	vcvt.f32.s32 v18;
	vm1 =	vgt.f32 v17, v18;
	v17 =	vmul.f32 v5, v1  }
0x4f: {  	v59 =	vsel vm2, $0x1, v0;
	v18 =	vsel vm1, $0x1, v0;
	vm1 =	vgt.f32 v21, v23  }
0x50: {  	v19 =	vadd.s32 v19, v59;
	v18 =	vadd.s32 v20, v18;
	v58 =	vsel vm1, $0x1, v0  }
0x51: {  	v22 =	vtrunc.f32 v17;
	vm0 =	vgt.s32 v18, $0x0;
	v20 =	vadd.s32 v57, v58  }
0x52: {  	v18 =	vnsel vm0, $0x0, v18;
	vm0 =	vgt.f32 v17, v22;
	v17 =	vcvt.f32.s32 v22  }
0x53: {  	v13 =	vld.idx.msk [tilespmem:v13+s2+$0x0], $0xffff;
	vm1 =	vgt.s32 v20, $0x0;
	v18 =	vmin.u32 v18, $0x15;
	v60 =	vsel vm0, $0x1, v0  }
0x54: {  	v14 =	vld.idx.msk [tilespmem:v14+s2+$0x0], $0xffff;
	v20 =	vnsel vm1, $0x0, v20;
	vm0 =	vgt.s32 v19, $0x0;
	v17 =	vadd.s32 v17, v60  }
0x55: {  	v15 =	vld.idx.msk [tilespmem:v15+s2+$0x0], $0xffff;
	v20 =	vmin.u32 v20, $0x15;
	v19 =	vnsel vm0, $0x0, v19;
	vm0 =	vgt.s32 v17, $0x0  }
0x56: {  	v61 =	vld [tilespmem:s23+$0x90];
	v19 =	vmin.u32 v19, $0x15;
	v17 =	vnsel vm0, $0x0, v17  }
0x57: {  	v62 =	vld [tilespmem:s23+$0x80];
	v17 =	vmin.u32 v17, $0x15  }
0x58: {  	p0 =	seq.s32 s21, $0x1F;
	v16 =	vld.idx.msk [tilespmem:v16+s2+$0x0], $0xffff  }
0x59: {  	s22 =	sadd.s32 @!p0 s22, s9;
	v18 =	vld.idx.msk [tilespmem:v18+s2+$0x0], $0xffff  }
0x5a: {  	v12 =	vmul.f32 v12, v12;
	s22 =	sshrl.u32 @!p0 s22, $0x3;
	v20 =	vld.idx.msk [tilespmem:v20+s2+$0x0], $0xffff  }
0x5b: {  	s24 =	simm.s32 @!p0 $0x0;
	s25 =	simm.s32 @!p0 $0x80;
	s23 =	sadd.s32 @!p0 s3, s22;
	v19 =	vld.idx.msk [tilespmem:v19+s2+$0x0], $0xffff  }
0x5c: {  	v11 =	vmul.f32 v11, v11;
	v12 =	vmul.f32 v12, v13;
	v17 =	vld.idx.msk [tilespmem:v17+s2+$0x0], $0xffff;
	[tilespmem:s25], [sflag:$0x1] =	stream.linear.gather @!p0 [hbm4b:s23+s24], $0x4000, $0x38  }
0x5d: {  	s22 =	sadd.s32 @!p0 s4, s22;
	s23 =	simm.s32 @!p0 $0x4080  }
0x5e: {  	v4 =	vmul.f32 v4, v4;
	v11 =	vmul.f32 v11, v14;
	v2 =	vadd.f32 v12, v2;
	[tilespmem:s23], [sflag:$0x1] =	stream.linear.gather @!p0 [hbm4b:s22+s24], $0x4000, $0x38;
	[tilespmem:$0x10100] =	vst v63  }
0x5f: {  	_ =	swait.ge [sflag:s18], $0x4000  }
0x60: {  	v4 =	vmul.f32 v4, v15;
	v2 =	vadd.f32 v11, v2;
	[sflag:s18] =	ssyncset.done $0x0  }
0x61: {  	v3 =	vmul.f32 v3, v3;
	v10 =	vsub.f32 v62, v10;
	[sflag:s18] =	ssyncadd.s32 $0xFFFFC000  }
0x62: {  	v2 =	vadd.f32 v4, v2;
	_ =	swait.ge [sflag:s18], $0x4000  }
0x63: {  	v3 =	vmul.f32 v3, v16;
	v4 =	vsub.f32 v61, v8;
	v8 =	vmul.f32 v10, v10;
	[sflag:s18] =	ssyncset.done $0x0  }
0x64: {  	s31 =	simm.s32 $0x0;
	v6 =	vsub.f32 v9, v6;
	[sflag:s18] =	ssyncadd.s32 $0xFFFFC000  }
0x65: {  	v2 =	vadd.f32 v3, v2;
	v3 =	vmul.f32 v4, v4;
	v4 =	vmul.f32 v8, v18;
	v8 =	vld [tilespmem:s31+$0xC0B0]  }
0x66: {  	v5 =	vsub.f32 v7, v5;
	v7 =	vld [tilespmem:s31+$0xC0A0]  }
0x67: {  	v6 =	vmul.f32 v6, v6;
	v3 =	vmul.f32 v3, v20;
	v2 =	vadd.f32 v4, v2;
	v12 =	vld [tilespmem:s31+$0xC080]  }
0x68: {  	v9 =	vld [tilespmem:s31+$0xC090]  }
0x69: {  	v4 =	vmul.f32 v5, v5;
	v2 =	vadd.f32 v3, v2;
	v3 =	vmul.f32 v6, v19;
	v6 =	vld [tilespmem:s31+$0x80B0]  }
0x6a: {  	v10 =	vld [tilespmem:s31+$0x80A0]  }
0x6b: {  	v2 =	vadd.f32 v3, v2;
	v3 =	vmul.f32 v4, v17  }
0x6c: {  	v4 =	vmul.f32 v7, v1  }
0x6d: {  	v5 =	vadd.f32 v3, v2;
	v11 =	vmul.f32 v8, v1;
	v13 =	vmul.f32 v12, v1  }
0x6e: {  	v3 =	vmul.f32 v9, v1;
	v2 =	vsub.f32 v6, v8;
	v14 =	vtrunc.f32 v4  }
0x6f: {  	v6 =	vsub.f32 v10, v7;
	v15 =	vtrunc.f32 v11;
	v8 =	vtrunc.f32 v13  }
0x70: {  	v16 =	vtrunc.f32 v3;
	v7 =	vcvt.f32.s32 v8;
	vm1 =	vgt.f32 v13, v8  }
0x71: {  	v18 =	vld [tilespmem:s31+$0x8080];
	v17 =	vcvt.f32.s32 v15;
	vm2 =	vgt.f32 v3, v16;
	v3 =	vsel vm1, $0x1, v0  }
0x72: {  	s22 =	simm.s32 $0x40;
	vm0 =	vgt.f32 v11, v15;
	v15 =	vld [tilespmem:s31+$0x8090];
	v8 =	vcvt.f32.s32 v16;
	v7 =	vadd.s32 v7, v3  }
0x73: {  	v11 =	vsel vm2, $0x1, v0;
	vm2 =	vgt.f32 v4, v14;
	v4 =	vld [tilespmem:s22+$0xC0A0];
	vm1 =	vgt.s32 v7, $0x0  }
0x74: {  	v10 =	vcvt.f32.s32 v14;
	v3 =	vld [tilespmem:s22+$0xC0B0];
	v11 =	vadd.s32 v8, v11;
	v7 =	vnsel vm1, $0x0, v7  }
0x75: {  	v14 =	vsel vm2, $0x1, v0;
	v8 =	vld [tilespmem:s22+$0xC090];
	vm1 =	vgt.s32 v11, $0x0;
	v13 =	vmin.u32 v7, $0x15  }
0x76: {  	v16 =	vadd.s32 v10, v14;
	v10 =	vld [tilespmem:s22+$0xC080];
	v7 =	vnsel vm1, $0x0, v11  }
0x77: {  	v19 =	vsel vm0, $0x1, v0;
	vm1 =	vgt.s32 v16, $0x0;
	v11 =	vmin.u32 v7, $0x15  }
0x78: {  	v14 =	vsub.f32 v15, v9;
	v9 =	vld [tilespmem:s22+$0x80A0];
	v63 =	vnsel vm1, $0x0, v16;
	v16 =	vadd.s32 v17, v19  }
0x79: {  	s23 =	simm.s32 $0x200;
	v15 =	vsub.f32 v18, v12;
	v7 =	vld [tilespmem:s22+$0x80B0];
	v12 =	vmin.u32 v63, $0x15;
	vm0 =	vgt.s32 v16, $0x0  }
.LBB2_5:
0x7a: {  	p0 =	sne.s32 s23, $0xFF00;
	v17 =	vmul.f32 v4, v1;
	v18 =	vmul.f32 v3, v1;
	v13 =	vld.idx.msk [tilespmem:v13+s2+$0x0], $0xffff;
	v16 =	vnsel vm0, $0x0, v16;
	v19 =	vmovc v8  }
0x7b: {  	v8 =	vmul.f32 v10, v1;
	v20 =	vmul.f32 v19, v1;
	v16 =	vmin.u32 v16, $0x15;
	v21 =	vmovc v10  }
0x7c: {  	v22 =	vmul.f32 v2, v2;
	v10 =	vld.idx.msk [tilespmem:v11+s2+$0x0], $0xffff;
	v11 =	vmul.f32 v6, v6  }
0x7d: {  	v14 =	vmul.f32 v14, v14;
	v15 =	vmul.f32 v15, v15  }
0x7e: {  	v23 =	vtrunc.f32 v17;
	v24 =	vtrunc.f32 v18;
	v2 =	vsub.f32 v7, v3;
	v3 =	vld.idx.msk [tilespmem:v12+s2+$0x0], $0xffff  }
0x7f: {  	v7 =	vtrunc.f32 v8;
	v12 =	vtrunc.f32 v20;
	v6 =	vsub.f32 v9, v4  }
0x80: {  	vm0 =	vgt.f32 v18, v24;
	v9 =	vcvt.f32.s32 v24;
	v4 =	vmul.f32 v15, v13;
	v13 =	vld.idx.msk [tilespmem:v16+s2+$0x0], $0xffff  }
0x81: {  	v15 =	vcvt.f32.s32 v7;
	vm1 =	vgt.f32 v20, v12;
	v16 =	vcvt.f32.s32 v23  }
0x82: {  	vm2 =	vgt.f32 v8, v7;
	v4 =	vadd.f32 v4, v5;
	v5 =	vmul.f32 v14, v10  }
0x83: {  	v7 =	vsel vm2, $0x1, v0;
	v8 =	vcvt.f32.s32 v12;
	v10 =	vsel vm1, $0x1, v0;
	v14 =	vld [tilespmem:s22+$0x8090]  }
0x84: {  	v7 =	vadd.s32 v15, v7;
	v5 =	vadd.f32 v5, v4;
	v11 =	vmul.f32 v11, v3;
	v12 =	vld [tilespmem:s22+$0x8080];
	s22 =	sshra.s32 s23, $0x2  }
0x85: {  	vm2 =	vgt.f32 v17, v23;
	vm1 =	vgt.s32 v7, $0x0;
	v15 =	vadd.s32 v8, v10;
	v3 =	vld [tilespmem:s22+$0xC0B0]  }
0x86: {  	v7 =	vnsel vm1, $0x0, v7;
	v5 =	vadd.f32 v11, v5;
	v11 =	vmul.f32 v22, v13;
	v4 =	vld [tilespmem:s22+$0xC0A0]  }
.Ltmp1:
0x87: {  	vm1 =	vgt.s32 v15, $0x0;
	v13 =	vmin.u32 v7, $0x15;
	v7 =	vsel vm2, $0x1, v0;
	v8 =	vld [tilespmem:s22+$0xC090];
	(pc) =	sbr.rel @p0 .LBB2_5-.Ltmp1, $4  }
0x88: {  	v15 =	vnsel vm1, $0x0, v15;
	v16 =	vadd.s32 v16, v7;
	v5 =	vadd.f32 v11, v5;
	v10 =	vld [tilespmem:s22+$0xC080]  }
0x89: {  	v11 =	vmin.u32 v15, $0x15;
	vm1 =	vgt.s32 v16, $0x0;
	v15 =	vsel vm0, $0x1, v0  }
0x8a: {  	v14 =	vsub.f32 v14, v19;
	v17 =	vnsel vm1, $0x0, v16;
	v16 =	vadd.s32 v9, v15;
	v7 =	vld [tilespmem:s22+$0x80B0]  }
0x8b: {  	s23 =	sadd.s32 $0x100, s23;
	v15 =	vsub.f32 v12, v21;
	v12 =	vmin.u32 v17, $0x15;
	vm0 =	vgt.s32 v16, $0x0;
	v9 =	vld [tilespmem:s22+$0x80A0]  }
0x8c: {  	v18 =	vmul.f32 v4, v1;
	v19 =	vmul.f32 v3, v1  }
0x8d: {  	v20 =	vmul.f32 v8, v1;
	v6 =	vmul.f32 v6, v6  }
0x8e: {  	v14 =	vmul.f32 v14, v14;
	v17 =	vmul.f32 v10, v1  }
0x8f: {  	v16 =	vnsel vm0, $0x0, v16;
	v15 =	vmul.f32 v15, v15;
	v44 =	vtrunc.f32 v18  }
0x90: {  	v16 =	vmin.u32 v16, $0x15;
	v23 =	vtrunc.f32 v20;
	v21 =	vtrunc.f32 v17  }
0x91: {  	v45 =	vtrunc.f32 v19;
	v22 =	vcvt.f32.s32 v21;
	vm10 =	vgt.f32 v17, v21  }
0x92: {  	v13 =	vld.idx.msk [tilespmem:v13+s2+$0x0], $0xffff;
	vm11 =	vgt.f32 v20, v23;
	v46 =	vcvt.f32.s32 v23;
	v17 =	vsel vm10, $0x1, v0  }
0x93: {  	vm1 =	vgt.f32 v19, v45;
	v47 =	vcvt.f32.s32 v45;
	v17 =	vadd.s32 v22, v17  }
0x94: {  	v11 =	vld.idx.msk [tilespmem:v11+s2+$0x0], $0xffff;
	v50 =	vcvt.f32.s32 v44;
	v48 =	vsel vm11, $0x1, v0;
	vm12 =	vgt.s32 v17, $0x0  }
0x95: {  	vm2 =	vgt.f32 v18, v44;
	v49 =	vadd.s32 v46, v48;
	v17 =	vnsel vm12, $0x0, v17  }
0x96: {  	v12 =	vld.idx.msk [tilespmem:v12+s2+$0x0], $0xffff;
	v18 =	vsel vm2, $0x1, v0;
	vm13 =	vgt.s32 v49, $0x0;
	v17 =	vmin.u32 v17, $0x15  }
0x97: {  	v51 =	vld [tilespmem:s22+$0x8080];
	v13 =	vmul.f32 v15, v13;
	v18 =	vadd.s32 v50, v18;
	v15 =	vnsel vm13, $0x0, v49  }
0x98: {  	v53 =	vld [tilespmem:s22+$0x8090];
	v52 =	vsel vm1, $0x1, v0;
	vm14 =	vgt.s32 v18, $0x0;
	v15 =	vmin.u32 v15, $0x15  }
0x99: {  	v11 =	vmul.f32 v14, v11;
	v19 =	vadd.s32 v47, v52;
	v16 =	vld.idx.msk [tilespmem:v16+s2+$0x0], $0xffff;
	v18 =	vnsel vm14, $0x0, v18  }
0x9a: {  	vm15 =	vgt.s32 v19, $0x0;
	v5 =	vadd.f32 v13, v5;
	v18 =	vmin.u32 v18, $0x15  }
0x9b: {  	v2 =	vmul.f32 v2, v2;
	v6 =	vmul.f32 v6, v12;
	v55 =	vnsel vm15, $0x0, v19;
	v54 =	vld.idx.msk [tilespmem:v17+s2+$0x0], $0xffff  }
0x9c: {  	v56 =	vsub.f32 v51, v10;
	v12 =	vmin.u32 v55, $0x15;
	v5 =	vadd.f32 v11, v5  }
0x9d: {  	v58 =	vsub.f32 v53, v8;
	v57 =	vld.idx.msk [tilespmem:v15+s2+$0x0], $0xffff  }
0x9e: {  	v10 =	vmul.f32 v56, v56;
	v5 =	vadd.f32 v6, v5;
	v2 =	vmul.f32 v2, v16  }
0x9f: {  	v59 =	vsub.f32 v9, v4;
	v60 =	vld.idx.msk [tilespmem:v18+s2+$0x0], $0xffff  }
0xa0: {  	v61 =	vmul.f32 v58, v58;
	v2 =	vadd.f32 v2, v5;
	v62 =	vmul.f32 v10, v54  }
0xa1: {  	v3 =	vsub.f32 v7, v3;
	v63 =	vld.idx.msk [tilespmem:v12+s2+$0x0], $0xffff  }
0xa2: {  	s21 =	sadd.s32 $0x1, s21;
	v4 =	vmul.f32 v59, v59;
	v5 =	vmul.f32 v61, v57;
	v2 =	vadd.f32 v62, v2  }
0xa3: {  	p0 =	sne.s32 s21, $0x20  }
.Ltmp2:
0xa4: {  	v3 =	vmul.f32 v3, v3;
	v4 =	vmul.f32 v4, v60;
	v2 =	vadd.f32 v5, v2;
	(pc) =	sbr.rel @p0 .LBB2_2-.Ltmp2, $3  }
0xa5: {  	_ = 	snop  }
0xa6: {  	v3 =	vmul.f32 v3, v63;
	v2 =	vadd.f32 v4, v2;
	_ =	sdelay $0x1  }
0xa7: {  	v2 =	vadd.f32 v3, v2  }
0xa8: {  	s20 =	sadd.s32 $0x1, s20  }
0xa9: {  	p0 =	sne.s32 s20, s11  }
.Ltmp3:
0xaa: {  	[tilespmem:$0x10080] =	vst v2;
	(pc) =	sbr.rel @p0 .LBB2_1-.Ltmp3, $4  }
0xab: {  	[hbm4b:s10+s2] =	stream.linear.scatter [tilespmem:s19], [sflag:$0x3], $0x80, $0x38;
	[tilespmem:$0x10100] =	vst v63  }
0xac: {  	_ =	swait.ge [sflag:s12], $0x80  }
0xad: {  	[sflag:s12] =	ssyncset.done $0x0  }
0xae: {  	[sflag:s12] =	ssyncadd.s32 $0xFFFFFF80  }
0xaf: {  	_ =	sfence.sel $0x180000  }
0xb0: {  	[bflag:$0x0] =	sbarrier.arrive $0xFFFF  }
0xb1: {  	p0 =	sne.s32 s1, $0x0;
	_ =	strace $0x9000004D  }
0xb2: {  	s0 =	sadd.s32 @!p0 $0x100000, s0;
	[bflag:$0x2] =	sbarrier.arrive $0xFFFF  }
0xb3: {  	[sflag:s0] =	ssyncadd.tile.s32 @!p0 $0x1;
	_ =	shalt  }
.Lfunc_end2:
_tile_overlayer_lowered:
.L_overlay_start_2:
0xb4: {  	(tag) =	ssettag $0x2  }
0xb5: {  	s0 =	rddreg [dreg:$0x0];
	s2 =	stileid.u32  }
0xb6: {  	s1 =	rddreg [dreg:$0x1];
	p0 =	sne.s32 s2, $0x0  }
0xb7: {  	s3 =	rddreg [dreg:$0x2];
	[bflag:$0x3] =	sbarrier.arrive $0xFFFF;
	s2 =	simm.s32 @!p0 $0x1C03  }
0xb8: {  	[timem:s3], [sflag:s2] =	dma.local @!p0 [hbm:s0], s1  }
0xb9: {  	s0 =	simm.s32 @!p0 $0x3  }
0xba: {  	_ =	swait.ge @!p0 [sflag:s0], s1  }
0xbb: {  	s1 =	ssub.s32 @!p0 $0x0, s1;
	[sflag:s0] =	ssyncset.done @!p0 $0x0  }
0xbc: {  	[sflag:s0] =	ssyncadd.s32 @!p0 s1  }
0xbd: {  	[bflag:$0x3] =	sbarrier.arrive $0xFFFF  }
0xbe: {  	_ =	shalt  }

// kernel: sparse-core-data-format-call.1.cloned.1.call-start
scs
called_computation.1_lowered:
.L_overlay_start_0:
0x0: {  	s2 =	sld [smem:$0x3FD9]  }
0x1: {  	s3 =	sld [smem:$0x3FFE];
	_ =	sdelay $0x1  }
0x2: {  	s1 =	srdreg.scid  }
0x3: {  	s0 =	sand.u32 $0x1, s1  }
0x4: {  	s18 =	sshll.u32 s0, $0xA;
	s2 =	sadd.s32 s3, s2  }
0x5: {  	s2 =	sadd.s32 s2, s18  }
0x6: {  	[smem:$0x3FC4] =	sst s2  }
0x7: {  	_ = 	snop  }
0x8: {  	s2 =	sld [smem:$0x3FC9];
	(tm) =	ssettm $0x1  }
0x9: {  	s19 =	sld [smem:$0x3FFB];
	_ =	sdelay $0x3  }
0xa: {  	_ =	strace s19  }
0xb: {  	s3 =	sld [smem:$0x3FFC];
	_ =	sdelay $0x3  }
0xc: {  	_ =	strace s3  }
0xd: {  	s3 =	sld [smem:$0x3FFD];
	_ =	sdelay $0x3  }
0xe: {  	_ =	strace s3  }
0xf: {  	_ =	strace $0x8FFFFFFF  }
0x10: {  	s20 =	sld [smem:$0x3FDB];
	_ =	sdelay $0x1  }
0x11: {  	s4 =	simm.s32 $_scs_section_size  }
0x12: {  	s5 =	simm.s32 $_size__tile_overlayer_lowered;
	s6 =	simm.s32 $_tile_overlayer_lowered  }
0x13: {  	s23 =	simm.s32 $0x1BFF;
	s22 =	sshll.u32 s6, $0x1;
	s3 =	sadd.s32 s4, s20  }
0x14: {  	s7 =	simm.s32 $0x0;
	s21 =	sshll.u32 s5, $0x1;
	s5 =	sadd.s32 s22, s3  }
0x15: {  	[timem:s7], [sflag:s23] =	dma.local [hbm:s5], s21  }
0x16: {  	_ =	swait.ge [sflag:s23], s21  }
0x17: {  	s4 =	ssub.s32 $0x0, s21;
	[sflag:s23] =	ssyncset.done $0x0  }
0x18: {  	[sflag:s23] =	ssyncadd.s32 s4;
	_ =	sdelay $0x1  }
0x19: {  	s24 =	simm.s32 $0x1B8B  }
0x1a: {  	_ =	swait.ge [sflag:s24], $0x1  }
0x1b: {  	[sflag:s24] =	ssyncset.done $0x0  }
0x1c: {  	s26 =	simm.s32 $0x1B8E;
	s25 =	sld [smem:$0x3FFE];
	[sflag:s24] =	ssyncadd.s32 $0xFFFFFFFF  }
0x1d: {  	s27 =	simm.s32 $execute0_lowered;
	[smem:$0x3FD2] =	sst s26  }
0x1e: {  	s5 =	sshll.u32 s27, $0x1;
	_ =	strace $0x80000046;
	[dreg:$0x1] =	wrdreg $0xFFFFFFFF  }
0x1f: {  	s28 =	simm.s32 $_size_execute0_lowered;
	s3 =	sadd.s32 s3, s5;
	[dreg:$0x0] =	wrdreg $0x0  }
0x20: {  	s5 =	sshll.u32 s28, $0x1;
	[dreg:$0x2] =	wrdreg s3  }
0x21: {  	[dreg:$0x3] =	wrdreg s5  }
0x22: {  	[dreg:$0x4] =	wrdreg $0xC0  }
0x23: {  	_ =	task [dreg:s7], $0x5FFFF  }
0x24: {  	[dreg:$0x1] =	wrdreg $0xFFFFFFFF  }
0x25: {  	[dreg:$0x0] =	wrdreg $0x60  }
0x26: {  	[dreg:$0x2] =	wrdreg s2  }
0x27: {  	[dreg:$0x3] =	wrdreg s25  }
0x28: {  	[dreg:$0x4] =	wrdreg $0xA  }
0x29: {  	_ =	task.clear_ibuf [dreg:s7], $0x5FFFF;
	_ =	strace $0x90000046  }
0x2a: {  	s29 =	simm.s32 $0xA;
	_ =	strace $0x80000048  }
0x2b: {  	_ =	swait.ge [sflag:s29], $0x1  }
0x2c: {  	[sflag:s29] =	ssyncadd.s32 $0xFFFFFFFF  }
0x2d: {  	_ =	strace $0x90000048  }
0x2e: {  	_ =	sfence  }
0x2f: {  	s30 =	sld [smem:$0x0];
	_ =	sdelay $0x2  }
0x30: {  	s31 =	sshll.u32 s1, $0xD;
	s1 =	sshrl.u32 s1, $0x2  }
0x31: {  	s3 =	sand.u32 $0x4000, s31;
	s1 =	sadd.s32 s1, s30  }
0x32: {  	s0 =	sor.u32 s3, s0;
	s1 =	sshll.u32 s1, $0x11  }
0x33: {  	s0 =	sor.u32 s1, s0  }
0x34: {  	s0 =	sadd.s32 $0x8F2B, s0  }
0x35: {  	[sflag:s0] =	ssyncadd.remote.s32 $0x1  }
0x36: {  	_ =	sfence.sel $0xFFFF  }
0x37: {  	[dreg:$0x0] =	wrdreg $0xFFFFFFFF;
	(pc) =	sbr.abs _section_cstart, $3  }
0x38: {  	[dreg:$0x1] =	wrdreg $0xFFFFFFFF  }
0x39: {  	_ =	task.clear_ibuf [dreg:s7], $0x2FFFF;
	_ =	strace $0x9FFFFFFF  }
0x3a: {  	(tm) =	ssettm $0x7FFFFFFF  }
0x3b: {  	_ =	shalt  }
tec
execute0_lowered:
.L_overlay_start_1:
0x0: {  	(tag) =	ssettag $0x1  }
0x1: {  	s2 =	rddreg [dreg:$0x0]  }
0x2: {  	s1 =	rddreg [dreg:$0x1]  }
0x3: {  	s0 =	rddreg [dreg:$0x2];
	_ =	strace $0x80000047;
	s4 =	srdreg.scid  }
0x4: {  	s6 =	simm.s32 $0x2;
	s11 =	simm.s32 $0x0;
	p0 =	por $0x0, $0x0  }
.Ltmp0:
0x5: {  	s7 =	simm.s32 $0x2000;
	s12 =	simm.s32 $0x0;
	(pc) =	sbr.rel .LBB1_1-.Ltmp0, $4  }
0x6: {  	s9 =	simm.s32 $0x0;
	s3 =	sadd.s32 $0xE00, s1;
	s5 =	sshll.u32 s4, $0x4  }
0x7: {  	s1 =	stileid.u32;
	s4 =	simm.s32 $0x1;
	s5 =	sand.u32 $0x10, s5  }
0x8: {  	s8 =	simm.s32 $0x0;
	[sflag:s4] =	ssyncpa.u1 $0x0;
	s5 =	sor.u32 s1, s5  }
0x9: {  	[sflag:s6] =	ssyncpa.u1 $0x0;
	s6 =	simm.s32 $0x800;
	s10 =	smov.u32 s5  }
.LBB1_7:
0xa: {  	s13 =	sadd.s32 $0x10, s9  }
0xb: {  	s11 =	sadd.s32 $0x20, s10;
	s15 =	smov.u32 s10;
	p2 =	sgt.s32 s13, $0x3F  }
0xc: {  	p1 =	slt.u32 s8, $0x2;
	s15 =	smov.u32 @p2 s11  }
0xd: {  	s8 =	sadd.s32 $0x1, s8;
	s13 =	simm.s32 @p2 $0x0;
	p2 =	sgt.s32 s15, $0x1FF  }
0xe: {  	s15 =	smov.u32 @p2 s5;
	p2 =	sne.s32 s8, $0x42  }
.Ltmp1:
0xf: {  	_ = 	snop;
	(pc) =	sbr.rel @!p2 .LBB1_8-.Ltmp1, $4  }
0x10: {  	s14 =	simm.s32 @!p1 $0x2  }
0x11: {  	s12 =	smov.u32 s10;
	_ =	swait.ge @!p1 [sflag:s14], $0x4000  }
0x12: {  	p0 =	por !p0, !p0;
	s11 =	smov.u32 s9;
	[sflag:s14] =	ssyncset.done @!p1 $0x0  }
0x13: {  	s9 =	smov.u32 s13;
	[sflag:s14] =	ssyncadd.s32 @!p1 $0xFFFFC000;
	s10 =	smov.u32 s15  }
.LBB1_1:
0x14: {  	p1 =	sgt.u32 s8, $0x3F  }
0x15: {  	s13 =	sxor.u32 @!p1 $0xFFFFFFFF, s8;
	s14 =	sshll.u32 @!p1 s10, $0xD  }
0x16: {  	s15 =	sshll.u32 @!p1 s9, $0x7;
	s13 =	sshll.u32 @!p1 s13, $0xE;
	s14 =	sadd.s32 @!p1 s2, s14  }
0x17: {  	s13 =	sand.u32 @!p1 $0x4000, s13;
	s14 =	sadd.s32 @!p1 s15, s14;
	s15 =	simm.s32 @!p1 $0x0  }
0x18: {  	[tilespmem:s13], [sflag:$0x1] =	stream.linear.gather @!p1 [hbm4b:s14+s15], $0x4000, $0x38;
	[tilespmem:$0x10000] =	vst v63  }
0x19: {  	p1 =	seq.s32 s8, $0x0  }
0x1a: {  	p2 =	seq.s32 @!p1 s8, $0x41  }
0x1b: {  	p1 =	por p1, p2  }
.Ltmp2:
0x1c: {  	_ = 	snop;
	(pc) =	sbr.rel @p1 .LBB1_7-.Ltmp2, $1  }
0x1d: {  	_ =	sdelay $0x3  }
0x1e: {  	s13 =	simm.s32 $0x1;
	_ =	swait.ge [sflag:s4], $0x4000;
	s16 =	sshll.u32 s8, $0xE  }
0x1f: {  	s13 =	simm.s32 @!p0 $0x0;
	[sflag:s4] =	ssyncset.done $0x0;
	s31 =	sand.u32 $0x4000, s16  }
0x20: {  	s16 =	simm.s32 $0x0;
	s14 =	sshll.u32 s13, $0xE;
	[sflag:s4] =	ssyncadd.s32 $0xFFFFC000  }
0x21: {  	s13 =	sor.u32 $0x8040, s14;
	s15 =	sor.u32 $0x40, s14;
	s14 =	sor.u32 $0x8000, s31  }
.LBB1_3:
0x22: {  	v0 =	vmov s15;
	_ =	sdelay $0x3  }
0x23: {  	s18 =	simm.s32 $0x0  }
0x24: {  	v6 =	vld.idx.msk [tilespmem:v0+s18+$0x30 ss:$0x1], $0xffff  }
0x25: {  	v7 =	vld.idx.msk [tilespmem:v0+s18+$0xFFFFFFC0 ss:$0x1], $0xffff  }
0x26: {  	v5 =	vld.idx.msk [tilespmem:v0+s18+$0xFFFFFFD0 ss:$0x1], $0xffff  }
0x27: {  	v4 =	vld.idx.msk [tilespmem:v0+s18+$0xFFFFFFE0 ss:$0x1], $0xffff  }
0x28: {  	v3 =	vld.idx.msk [tilespmem:v0+s18+$0xFFFFFFF0 ss:$0x1], $0xffff  }
0x29: {  	v1 =	vld.idx.msk [tilespmem:v0+s18+$0x0 ss:$0x1], $0xffff  }
0x2a: {  	v2 =	vld.idx.msk [tilespmem:v0+s18+$0x10 ss:$0x1], $0xffff;
	[tilespmem:s13+$0x30] =	vst v6  }
0x2b: {  	s17 =	simm.s32 $0x80;
	s19 =	simm.s32 $0x400;
	[tilespmem:s13+$0xFFFFFFC0] =	vst v7;
	v6 =	vld.idx.msk [tilespmem:v0+s18+$0x20 ss:$0x1], $0xffff;
	s18 =	smov.u32 s13  }
.LBB1_4:
0x2c: {  	p1 =	sne.s32 s19, $0xE00;
	v7 =	vld.idx.msk [tilespmem:v0+s17+$0x30 ss:$0x1], $0xffff;
	[tilespmem:s18+$0xFFFFFFD0] =	vst v5  }
0x2d: {  	v8 =	vld.idx.msk [tilespmem:v0+s17+$0xFFFFFFC0 ss:$0x1], $0xffff;
	[tilespmem:s18+$0xFFFFFFE0] =	vst v4  }
0x2e: {  	v5 =	vld.idx.msk [tilespmem:v0+s17+$0xFFFFFFD0 ss:$0x1], $0xffff;
	[tilespmem:s18+$0xFFFFFFF0] =	vst v3  }
.Ltmp3:
0x2f: {  	v4 =	vld.idx.msk [tilespmem:v0+s17+$0xFFFFFFE0 ss:$0x1], $0xffff;
	[tilespmem:s18+$0x0] =	vst v1;
	(pc) =	sbr.rel @p1 .LBB1_4-.Ltmp3, $4  }
0x30: {  	v3 =	vld.idx.msk [tilespmem:v0+s17+$0xFFFFFFF0 ss:$0x1], $0xffff;
	[tilespmem:s18+$0x10] =	vst v2  }
0x31: {  	v1 =	vld.idx.msk [tilespmem:v0+s17+$0x0 ss:$0x1], $0xffff;
	[tilespmem:s18+$0x20] =	vst v6;
	s18 =	sadd.s32 $0x800, s18  }
0x32: {  	v2 =	vld.idx.msk [tilespmem:v0+s17+$0x10 ss:$0x1], $0xffff;
	[tilespmem:s18+$0x30] =	vst v7  }
0x33: {  	[tilespmem:s18+$0xFFFFFFC0] =	vst v8;
	v6 =	vld.idx.msk [tilespmem:v0+s17+$0x20 ss:$0x1], $0xffff;
	s17 =	sshra.s32 s19, $0x2;
	s19 =	sadd.s32 $0x200, s19  }
0x34: {  	_ =	sdelay $0x2  }
0x35: {  	[tilespmem:s18+$0xFFFFFFD0] =	vst v5  }
0x36: {  	v56 =	vld.idx.msk [tilespmem:v0+s17+$0x30 ss:$0x1], $0xffff;
	[tilespmem:s18+$0xFFFFFFE0] =	vst v4  }
0x37: {  	v57 =	vld.idx.msk [tilespmem:v0+s17+$0xFFFFFFC0 ss:$0x1], $0xffff;
	[tilespmem:s18+$0xFFFFFFF0] =	vst v3  }
0x38: {  	v58 =	vld.idx.msk [tilespmem:v0+s17+$0xFFFFFFD0 ss:$0x1], $0xffff;
	[tilespmem:s18+$0x0] =	vst v1  }
0x39: {  	v59 =	vld.idx.msk [tilespmem:v0+s17+$0xFFFFFFE0 ss:$0x1], $0xffff;
	[tilespmem:s18+$0x10] =	vst v2  }
0x3a: {  	v60 =	vld.idx.msk [tilespmem:v0+s17+$0xFFFFFFF0 ss:$0x1], $0xffff;
	s31 =	sadd.s32 $0x800, s18;
	[tilespmem:s18+$0x20] =	vst v6  }
0x3b: {  	v61 =	vld.idx.msk [tilespmem:v0+s17+$0x0 ss:$0x1], $0xffff;
	[tilespmem:s31+$0x30] =	vst v56  }
0x3c: {  	v62 =	vld.idx.msk [tilespmem:v0+s17+$0x10 ss:$0x1], $0xffff;
	s16 =	sadd.s32 $0x1, s16;
	[tilespmem:s31+$0xFFFFFFC0] =	vst v57  }
0x3d: {  	v63 =	vld.idx.msk [tilespmem:v0+s17+$0x20 ss:$0x1], $0xffff;
	p1 =	sne.s32 s16, $0x10;
	[tilespmem:s31+$0xFFFFFFD0] =	vst v58  }
.Ltmp4:
0x3e: {  	[tilespmem:s31+$0xFFFFFFE0] =	vst v59;
	(pc) =	sbr.rel @p1 .LBB1_3-.Ltmp4, $4  }
0x3f: {  	[tilespmem:s31+$0xFFFFFFF0] =	vst v60  }
0x40: {  	[tilespmem:s31+$0x0] =	vst v61  }
0x41: {  	[tilespmem:s31+$0x10] =	vst v62  }
0x42: {  	s13 =	sadd.s32 $0x80, s13;
	s15 =	sadd.s32 $0x400, s15;
	[tilespmem:s31+$0x20] =	vst v63  }
.Ltmp5:
0x43: {  	(pc) =	sbr.rel .LBB1_7-.Ltmp5, $4  }
0x44: {  	s12 =	sshll.u32 s12, $0xD;
	s11 =	sshll.u32 s11, $0x4  }
0x45: {  	s11 =	sand.u32 $0x3F0, s11;
	s12 =	sadd.s32 s3, s12  }
0x46: {  	s11 =	sadd.s32 s11, s12  }
0x47: {  	[hbm4b:s11+s6] =	stream.strided.scatter [tilespmem:s14], [sflag:$0x2], $0x4000, s7, s6, $0x38;
	[tilespmem:$0x10000] =	vst v63  }
.LBB1_8:
0x48: {  	_ =	sfence.sel $0x180000  }
0x49: {  	s2 =	simm.s32 $0x1;
	[bflag:$0x0] =	sbarrier.arrive $0xFFFF  }
0x4a: {  	s31 =	simm.s32 $0x2;
	[sflag:s2] =	ssyncpa.u1 $0x1  }
0x4b: {  	[sflag:s31] =	ssyncpa.u1 $0x1  }
0x4c: {  	p0 =	sne.s32 s1, $0x0;
	_ =	strace $0x90000047  }
0x4d: {  	s0 =	sadd.s32 @!p0 $0x100000, s0;
	[bflag:$0x2] =	sbarrier.arrive $0xFFFF  }
0x4e: {  	[sflag:s0] =	ssyncadd.tile.s32 @!p0 $0x1;
	_ =	shalt  }
.Lfunc_end1:
_tile_overlayer_lowered:
.L_overlay_start_2:
0x4f: {  	(tag) =	ssettag $0x2  }
0x50: {  	s0 =	rddreg [dreg:$0x0];
	s2 =	stileid.u32  }
0x51: {  	s1 =	rddreg [dreg:$0x1];
	p0 =	sne.s32 s2, $0x0  }
0x52: {  	s3 =	rddreg [dreg:$0x2];
	[bflag:$0x3] =	sbarrier.arrive $0xFFFF;
	s2 =	simm.s32 @!p0 $0x1C01  }
0x53: {  	[timem:s3], [sflag:s2] =	dma.local @!p0 [hbm:s0], s1  }
0x54: {  	s0 =	simm.s32 @!p0 $0x1  }
0x55: {  	_ =	swait.ge @!p0 [sflag:s0], s1  }
0x56: {  	s1 =	ssub.s32 @!p0 $0x0, s1;
	[sflag:s0] =	ssyncset.done @!p0 $0x0  }
0x57: {  	[sflag:s0] =	ssyncadd.s32 @!p0 s1  }
0x58: {  	[bflag:$0x3] =	sbarrier.arrive $0xFFFF  }
0x59: {  	_ =	shalt  }

// kernel: sparse-core-data-format-call.cloned.1.call-start
scs
called_computation_lowered:
.L_overlay_start_0:
0x0: {  	s2 =	sld [smem:$0x3FD9]  }
0x1: {  	s3 =	sld [smem:$0x3FFE];
	_ =	sdelay $0x1  }
0x2: {  	s1 =	srdreg.scid  }
0x3: {  	s0 =	sand.u32 $0x1, s1  }
0x4: {  	s18 =	sshll.u32 s0, $0xA;
	s2 =	sadd.s32 s3, s2  }
0x5: {  	s2 =	sadd.s32 s2, s18  }
0x6: {  	[smem:$0x3FC4] =	sst s2  }
0x7: {  	_ = 	snop  }
0x8: {  	s19 =	sld [smem:$0x3FC8];
	(tm) =	ssettm $0x1  }
0x9: {  	s20 =	sld [smem:$0x3FFB];
	_ =	sdelay $0x3  }
0xa: {  	_ =	strace s20  }
0xb: {  	s2 =	sld [smem:$0x3FFC];
	_ =	sdelay $0x3  }
0xc: {  	_ =	strace s2  }
0xd: {  	s2 =	sld [smem:$0x3FFD];
	_ =	sdelay $0x3  }
0xe: {  	_ =	strace s2  }
0xf: {  	_ =	strace $0x8FFFFFFF  }
0x10: {  	s21 =	sld [smem:$0x3FDB];
	_ =	sdelay $0x1  }
0x11: {  	s4 =	simm.s32 $_scs_section_size  }
0x12: {  	s5 =	simm.s32 $_size__tile_overlayer_lowered;
	s6 =	simm.s32 $_tile_overlayer_lowered  }
0x13: {  	s7 =	simm.s32 $0x1BFF;
	s22 =	sshll.u32 s6, $0x1;
	s4 =	sadd.s32 s4, s21  }
0x14: {  	s23 =	simm.s32 $0x0;
	s5 =	sshll.u32 s5, $0x1;
	s6 =	sadd.s32 s22, s4  }
0x15: {  	[timem:s23], [sflag:s7] =	dma.local [hbm:s6], s5  }
0x16: {  	_ =	swait.ge [sflag:s7], s5  }
0x17: {  	s5 =	ssub.s32 $0x0, s5;
	[sflag:s7] =	ssyncset.done $0x0  }
0x18: {  	[sflag:s7] =	ssyncadd.s32 s5;
	_ =	sdelay $0x1  }
0x19: {  	s24 =	simm.s32 $0x1B8B  }
0x1a: {  	_ =	swait.ge [sflag:s24], $0x1  }
0x1b: {  	[sflag:s24] =	ssyncset.done $0x0  }
0x1c: {  	[sflag:s24] =	ssyncadd.s32 $0xFFFFFFFF  }
0x1d: {  	s5 =	sld [smem:$0x0]  }
0x1e: {  	s6 =	sand.u32 $0xFFFFFFFE, s1  }
0x1f: {  	p0 =	sne.s32 s1, s6  }
0x20: {  	s6 =	sshll.u32 @p0 s6, $0xE  }
0x21: {  	s6 =	sadd.s32 @p0 $0x11B8D, s6;
	s7 =	sshll.u32 @p0 s5, $0x11  }
0x22: {  	s6 =	sor.u32 @p0 s7, s6  }
0x23: {  	[sflag:s6] =	ssyncadd.remote.s32 @p0 $0x1;
	_ =	sdelay $0x1  }
0x24: {  	s6 =	simm.s32 @p0 $0x1B8D  }
0x25: {  	_ =	swait.eq @p0 [sflag:s6], $0x1  }
0x26: {  	[sflag:s6] =	ssyncadd.s32 @p0 $0xFFFFFFFF  }
0x27: {  	s7 =	sshll.u32 @!p0 s1, $0xE  }
0x28: {  	s7 =	sor.u32 @!p0 $0x4000, s7;
	s6 =	simm.s32 @!p0 $0x1B8D  }
0x29: {  	s5 =	sshll.u32 @!p0 s5, $0x11;
	s7 =	sadd.s32 @!p0 $0x11B8D, s7;
	_ =	swait.eq @!p0 [sflag:s6], $0x1  }
0x2a: {  	s5 =	sor.u32 @!p0 s5, s7;
	[sflag:s6] =	ssyncadd.s32 @!p0 $0xFFFFFFFF  }
0x2b: {  	s26 =	simm.s32 $0x1B8E;
	s25 =	sld [smem:$0x3FFE];
	[sflag:s5] =	ssyncadd.remote.s32 @!p0 $0x1  }
0x2c: {  	s27 =	simm.s32 $execute0_lowered;
	[smem:$0x3FD2] =	sst s26  }
0x2d: {  	s6 =	sshll.u32 s27, $0x1;
	_ =	strace $0x80000049;
	[dreg:$0x1] =	wrdreg $0xFFFFFFFF  }
0x2e: {  	s28 =	simm.s32 $_size_execute0_lowered;
	s4 =	sadd.s32 s4, s6;
	[dreg:$0x0] =	wrdreg $0x0  }
0x2f: {  	s6 =	sshll.u32 s28, $0x1;
	[dreg:$0x2] =	wrdreg s4  }
0x30: {  	[dreg:$0x3] =	wrdreg s6  }
0x31: {  	[dreg:$0x4] =	wrdreg $0xC0  }
0x32: {  	_ =	task [dreg:s23], $0x5FFFF  }
0x33: {  	[dreg:$0x1] =	wrdreg $0xFFFFFFFF  }
0x34: {  	[dreg:$0x0] =	wrdreg $0x60  }
0x35: {  	[dreg:$0x2] =	wrdreg s19  }
0x36: {  	[dreg:$0x3] =	wrdreg s25  }
0x37: {  	[dreg:$0x4] =	wrdreg $0x9  }
0x38: {  	_ =	task.clear_ibuf [dreg:s23], $0x5FFFF;
	_ =	strace $0x90000049  }
0x39: {  	s29 =	simm.s32 $0x9;
	_ =	strace $0x8000004B  }
0x3a: {  	_ =	swait.ge [sflag:s29], $0x1  }
0x3b: {  	[sflag:s29] =	ssyncadd.s32 $0xFFFFFFFF  }
0x3c: {  	_ =	strace $0x9000004B  }
0x3d: {  	_ =	sfence  }
0x3e: {  	s30 =	sld [smem:$0x0];
	_ =	sdelay $0x2  }
0x3f: {  	s31 =	sshll.u32 s1, $0xD;
	s1 =	sshrl.u32 s1, $0x2  }
0x40: {  	s4 =	sand.u32 $0x4000, s31;
	s1 =	sadd.s32 s1, s30  }
0x41: {  	s0 =	sor.u32 s4, s0;
	s1 =	sshll.u32 s1, $0x11  }
0x42: {  	s0 =	sor.u32 s1, s0  }
0x43: {  	s0 =	sadd.s32 $0x8F2B, s0  }
0x44: {  	[sflag:s0] =	ssyncadd.remote.s32 $0x1  }
0x45: {  	_ =	sfence.sel $0xFFFF  }
0x46: {  	[dreg:$0x0] =	wrdreg $0xFFFFFFFF;
	(pc) =	sbr.abs _section_cstart, $3  }
0x47: {  	[dreg:$0x1] =	wrdreg $0xFFFFFFFF  }
0x48: {  	_ =	task.clear_ibuf [dreg:s23], $0x2FFFF;
	_ =	strace $0x9FFFFFFF  }
0x49: {  	(tm) =	ssettm $0x7FFFFFFF  }
tec
execute0_lowered:
.L_overlay_start_1:
0x0: {  	(tag) =	ssettag $0x1  }
0x1: {  	s2 =	rddreg [dreg:$0x0]  }
0x2: {  	s1 =	rddreg [dreg:$0x1]  }
0x3: {  	s0 =	rddreg [dreg:$0x2];
	_ =	strace $0x8000004A;
	s4 =	srdreg.scid  }
0x4: {  	s6 =	simm.s32 $0x2;
	s11 =	simm.s32 $0x0;
	p0 =	por $0x0, $0x0  }
.Ltmp0:
0x5: {  	s7 =	simm.s32 $0x2000;
	s12 =	simm.s32 $0x0;
	(pc) =	sbr.rel .LBB1_1-.Ltmp0, $4  }
0x6: {  	s9 =	simm.s32 $0x0;
	s3 =	sadd.s32 $0x400E00, s1;
	s5 =	sshll.u32 s4, $0x4  }
0x7: {  	s1 =	stileid.u32;
	s4 =	simm.s32 $0x1;
	s5 =	sand.u32 $0x10, s5  }
0x8: {  	s8 =	simm.s32 $0x0;
	[sflag:s4] =	ssyncpa.u1 $0x0;
	s5 =	sor.u32 s1, s5  }
0x9: {  	[sflag:s6] =	ssyncpa.u1 $0x0;
	s6 =	simm.s32 $0x800;
	s10 =	smov.u32 s5  }
.LBB1_7:
0xa: {  	s13 =	sadd.s32 $0x10, s9  }
0xb: {  	s11 =	sadd.s32 $0x20, s10;
	s15 =	smov.u32 s10;
	p2 =	sgt.s32 s13, $0x3F  }
0xc: {  	p1 =	slt.u32 s8, $0x2;
	s15 =	smov.u32 @p2 s11  }
0xd: {  	s8 =	sadd.s32 $0x1, s8;
	s13 =	simm.s32 @p2 $0x0;
	p2 =	sgt.s32 s15, $0x1FF  }
0xe: {  	s15 =	smov.u32 @p2 s5;
	p2 =	sne.s32 s8, $0x42  }
.Ltmp1:
0xf: {  	_ = 	snop;
	(pc) =	sbr.rel @!p2 .LBB1_8-.Ltmp1, $4  }
0x10: {  	s14 =	simm.s32 @!p1 $0x2  }
0x11: {  	s12 =	smov.u32 s10;
	_ =	swait.ge @!p1 [sflag:s14], $0x4000  }
0x12: {  	p0 =	por !p0, !p0;
	s11 =	smov.u32 s9;
	[sflag:s14] =	ssyncset.done @!p1 $0x0  }
0x13: {  	s9 =	smov.u32 s13;
	[sflag:s14] =	ssyncadd.s32 @!p1 $0xFFFFC000;
	s10 =	smov.u32 s15  }
.LBB1_1:
0x14: {  	p1 =	sgt.u32 s8, $0x3F  }
0x15: {  	s13 =	sxor.u32 @!p1 $0xFFFFFFFF, s8;
	s14 =	sshll.u32 @!p1 s10, $0xD  }
0x16: {  	s15 =	sshll.u32 @!p1 s9, $0x7;
	s13 =	sshll.u32 @!p1 s13, $0xE;
	s14 =	sadd.s32 @!p1 s2, s14  }
0x17: {  	s13 =	sand.u32 @!p1 $0x4000, s13;
	s14 =	sadd.s32 @!p1 s15, s14;
	s15 =	simm.s32 @!p1 $0x0  }
0x18: {  	[tilespmem:s13], [sflag:$0x1] =	stream.linear.gather @!p1 [hbm4b:s14+s15], $0x4000, $0x38;
	[tilespmem:$0x10000] =	vst v63  }
0x19: {  	p1 =	seq.s32 s8, $0x0  }
0x1a: {  	p2 =	seq.s32 @!p1 s8, $0x41  }
0x1b: {  	p1 =	por p1, p2  }
.Ltmp2:
0x1c: {  	_ = 	snop;
	(pc) =	sbr.rel @p1 .LBB1_7-.Ltmp2, $1  }
0x1d: {  	_ =	sdelay $0x3  }
0x1e: {  	s13 =	simm.s32 $0x1;
	_ =	swait.ge [sflag:s4], $0x4000;
	s16 =	sshll.u32 s8, $0xE  }
0x1f: {  	s13 =	simm.s32 @!p0 $0x0;
	[sflag:s4] =	ssyncset.done $0x0;
	s31 =	sand.u32 $0x4000, s16  }
0x20: {  	s16 =	simm.s32 $0x0;
	s14 =	sshll.u32 s13, $0xE;
	[sflag:s4] =	ssyncadd.s32 $0xFFFFC000  }
0x21: {  	s13 =	sor.u32 $0x8040, s14;
	s15 =	sor.u32 $0x40, s14;
	s14 =	sor.u32 $0x8000, s31  }
.LBB1_3:
0x22: {  	v0 =	vmov s15;
	_ =	sdelay $0x3  }
0x23: {  	s18 =	simm.s32 $0x0  }
0x24: {  	v6 =	vld.idx.msk [tilespmem:v0+s18+$0x30 ss:$0x1], $0xffff  }
0x25: {  	v7 =	vld.idx.msk [tilespmem:v0+s18+$0xFFFFFFC0 ss:$0x1], $0xffff  }
0x26: {  	v5 =	vld.idx.msk [tilespmem:v0+s18+$0xFFFFFFD0 ss:$0x1], $0xffff  }
0x27: {  	v4 =	vld.idx.msk [tilespmem:v0+s18+$0xFFFFFFE0 ss:$0x1], $0xffff  }
0x28: {  	v3 =	vld.idx.msk [tilespmem:v0+s18+$0xFFFFFFF0 ss:$0x1], $0xffff  }
0x29: {  	v1 =	vld.idx.msk [tilespmem:v0+s18+$0x0 ss:$0x1], $0xffff  }
0x2a: {  	v2 =	vld.idx.msk [tilespmem:v0+s18+$0x10 ss:$0x1], $0xffff;
	[tilespmem:s13+$0x30] =	vst v6  }
0x2b: {  	s17 =	simm.s32 $0x80;
	s19 =	simm.s32 $0x400;
	[tilespmem:s13+$0xFFFFFFC0] =	vst v7;
	v6 =	vld.idx.msk [tilespmem:v0+s18+$0x20 ss:$0x1], $0xffff;
	s18 =	smov.u32 s13  }
.LBB1_4:
0x2c: {  	p1 =	sne.s32 s19, $0xE00;
	v7 =	vld.idx.msk [tilespmem:v0+s17+$0x30 ss:$0x1], $0xffff;
	[tilespmem:s18+$0xFFFFFFD0] =	vst v5  }
0x2d: {  	v8 =	vld.idx.msk [tilespmem:v0+s17+$0xFFFFFFC0 ss:$0x1], $0xffff;
	[tilespmem:s18+$0xFFFFFFE0] =	vst v4  }
0x2e: {  	v5 =	vld.idx.msk [tilespmem:v0+s17+$0xFFFFFFD0 ss:$0x1], $0xffff;
	[tilespmem:s18+$0xFFFFFFF0] =	vst v3  }
.Ltmp3:
0x2f: {  	v4 =	vld.idx.msk [tilespmem:v0+s17+$0xFFFFFFE0 ss:$0x1], $0xffff;
	[tilespmem:s18+$0x0] =	vst v1;
	(pc) =	sbr.rel @p1 .LBB1_4-.Ltmp3, $4  }
0x30: {  	v3 =	vld.idx.msk [tilespmem:v0+s17+$0xFFFFFFF0 ss:$0x1], $0xffff;
	[tilespmem:s18+$0x10] =	vst v2  }
0x31: {  	v1 =	vld.idx.msk [tilespmem:v0+s17+$0x0 ss:$0x1], $0xffff;
	[tilespmem:s18+$0x20] =	vst v6;
	s18 =	sadd.s32 $0x800, s18  }
0x32: {  	v2 =	vld.idx.msk [tilespmem:v0+s17+$0x10 ss:$0x1], $0xffff;
	[tilespmem:s18+$0x30] =	vst v7  }
0x33: {  	[tilespmem:s18+$0xFFFFFFC0] =	vst v8;
	v6 =	vld.idx.msk [tilespmem:v0+s17+$0x20 ss:$0x1], $0xffff;
	s17 =	sshra.s32 s19, $0x2;
	s19 =	sadd.s32 $0x200, s19  }
0x34: {  	_ =	sdelay $0x2  }
0x35: {  	[tilespmem:s18+$0xFFFFFFD0] =	vst v5  }
0x36: {  	v56 =	vld.idx.msk [tilespmem:v0+s17+$0x30 ss:$0x1], $0xffff;
	[tilespmem:s18+$0xFFFFFFE0] =	vst v4  }
0x37: {  	v57 =	vld.idx.msk [tilespmem:v0+s17+$0xFFFFFFC0 ss:$0x1], $0xffff;
	[tilespmem:s18+$0xFFFFFFF0] =	vst v3  }
0x38: {  	v58 =	vld.idx.msk [tilespmem:v0+s17+$0xFFFFFFD0 ss:$0x1], $0xffff;
	[tilespmem:s18+$0x0] =	vst v1  }
0x39: {  	v59 =	vld.idx.msk [tilespmem:v0+s17+$0xFFFFFFE0 ss:$0x1], $0xffff;
	[tilespmem:s18+$0x10] =	vst v2  }
0x3a: {  	v60 =	vld.idx.msk [tilespmem:v0+s17+$0xFFFFFFF0 ss:$0x1], $0xffff;
	s31 =	sadd.s32 $0x800, s18;
	[tilespmem:s18+$0x20] =	vst v6  }
0x3b: {  	v61 =	vld.idx.msk [tilespmem:v0+s17+$0x0 ss:$0x1], $0xffff;
	[tilespmem:s31+$0x30] =	vst v56  }
0x3c: {  	v62 =	vld.idx.msk [tilespmem:v0+s17+$0x10 ss:$0x1], $0xffff;
	s16 =	sadd.s32 $0x1, s16;
	[tilespmem:s31+$0xFFFFFFC0] =	vst v57  }
0x3d: {  	v63 =	vld.idx.msk [tilespmem:v0+s17+$0x20 ss:$0x1], $0xffff;
	p1 =	sne.s32 s16, $0x10;
	[tilespmem:s31+$0xFFFFFFD0] =	vst v58  }
.Ltmp4:
0x3e: {  	[tilespmem:s31+$0xFFFFFFE0] =	vst v59;
	(pc) =	sbr.rel @p1 .LBB1_3-.Ltmp4, $4  }
0x3f: {  	[tilespmem:s31+$0xFFFFFFF0] =	vst v60  }
0x40: {  	[tilespmem:s31+$0x0] =	vst v61  }
0x41: {  	[tilespmem:s31+$0x10] =	vst v62  }
0x42: {  	s13 =	sadd.s32 $0x80, s13;
	s15 =	sadd.s32 $0x400, s15;
	[tilespmem:s31+$0x20] =	vst v63  }
.Ltmp5:
0x43: {  	(pc) =	sbr.rel .LBB1_7-.Ltmp5, $4  }
0x44: {  	s12 =	sshll.u32 s12, $0xD;
	s11 =	sshll.u32 s11, $0x4  }
0x45: {  	s11 =	sand.u32 $0x3F0, s11;
	s12 =	sadd.s32 s3, s12  }
0x46: {  	s11 =	sadd.s32 s11, s12  }
0x47: {  	[hbm4b:s11+s6] =	stream.strided.scatter [tilespmem:s14], [sflag:$0x2], $0x4000, s7, s6, $0x38;
	[tilespmem:$0x10000] =	vst v63  }
.LBB1_8:
0x48: {  	_ =	sfence.sel $0x180000  }
0x49: {  	s2 =	simm.s32 $0x1;
	[bflag:$0x0] =	sbarrier.arrive $0xFFFF  }
0x4a: {  	s31 =	simm.s32 $0x2;
	[sflag:s2] =	ssyncpa.u1 $0x1  }
0x4b: {  	[sflag:s31] =	ssyncpa.u1 $0x1  }
0x4c: {  	p0 =	sne.s32 s1, $0x0;
	_ =	strace $0x9000004A  }
0x4d: {  	s0 =	sadd.s32 @!p0 $0x100000, s0;
	[bflag:$0x2] =	sbarrier.arrive $0xFFFF  }
0x4e: {  	[sflag:s0] =	ssyncadd.tile.s32 @!p0 $0x1;
	_ =	shalt  }
.Lfunc_end1:
_tile_overlayer_lowered:
.L_overlay_start_2:
0x4f: {  	(tag) =	ssettag $0x2  }
0x50: {  	s0 =	rddreg [dreg:$0x0];
	s2 =	stileid.u32  }
0x51: {  	s1 =	rddreg [dreg:$0x1];
	p0 =	sne.s32 s2, $0x0  }
0x52: {  	s3 =	rddreg [dreg:$0x2];
	[bflag:$0x3] =	sbarrier.arrive $0xFFFF;
	s2 =	simm.s32 @!p0 $0x1C01  }
0x53: {  	[timem:s3], [sflag:s2] =	dma.local @!p0 [hbm:s0], s1  }
0x54: {  	s0 =	simm.s32 @!p0 $0x1  }
0x55: {  	_ =	swait.ge @!p0 [sflag:s0], s1  }
0x56: {  	s1 =	ssub.s32 @!p0 $0x0, s1;
	[sflag:s0] =	ssyncset.done @!p0 $0x0  }
0x57: {  	[sflag:s0] =	ssyncadd.s32 @!p0 s1  }
0x58: {  	[bflag:$0x3] =	sbarrier.arrive $0xFFFF  }
0x59: {  	_ =	shalt  }

</sc_bundles>
